<compile_context>
chip_gen: v7x
topology: tpu7x:2x2x1
jax: 0.10.2.dev20260603
libtpu: 0.0.44.dev20260713+nightly
codegen_flags: <defaults>
</compile_context>

<pallas_src>
import functools

import jax
import jax.numpy as jnp
from jax import lax
from jax.experimental import pallas as pl
from jax.experimental.pallas import tpu as pltpu
from jax.experimental.pallas import tpu_sc as plsc

N_TOK = 18432
DIM = 64
K = 1024
COMMIT = 0.25

NH = N_TOK // 2
T = 1024
NT = NH // T

NC = 2
NS = 16
NW = NC * NS
BPW = NH // NW
CW = 96
CH = BPW // CW


def _dist_body(x_ref, w_ref, idx_ref, counts_ref, sumd_ref, wsq_ref):
    i = pl.program_id(0)
    w = w_ref[...]

    @pl.when(i == 0)
    def _prep():
        wsq_ref[...] = jnp.sum(w * w, axis=1)[None, :]
        sumd_ref[...] = jnp.zeros_like(sumd_ref)
        counts_ref[...] = jnp.zeros_like(counts_ref)

    x = x_ref[...]
    xsq = jnp.sum(x * x, axis=1, keepdims=True)
    w2 = w + w
    mm2 = lax.dot_general(x, w2, (((1,), (1,)), ((), ())),
                          preferred_element_type=jnp.float32)
    d = (xsq + wsq_ref[...]) - mm2
    m = jnp.min(d, axis=1, keepdims=True)
    kiota = lax.broadcasted_iota(jnp.int32, (T, K), 1)
    eq = d == m
    idx = jnp.min(jnp.where(eq, kiota, K), axis=1)
    idx_ref[0, 0, :] = idx
    onehot = (kiota == idx[:, None]).astype(jnp.float32)
    counts_ref[...] += jnp.sum(onehot, axis=0).reshape(1, K)
    sumd_ref[...] += jnp.sum(m).reshape(1, 1)


def _aux_body(w_ref, counts_ref, sumd1_ref, sumd2_ref,
              compact_ref, util_ref, quant_ref):
    w = w_ref[...]
    sq = jnp.sum(w * w, axis=1)
    g = lax.dot_general(w, w, (((1,), (1,)), ((), ())),
                        preferred_element_type=jnp.float32)
    d2 = (sq[:, None] + sq[None, :]) - 2.0 * g
    d2 = jnp.maximum(d2, 0.0)
    ri = lax.broadcasted_iota(jnp.int32, (K, K), 0)
    ci = lax.broadcasted_iota(jnp.int32, (K, K), 1)
    mask = ci > ri
    dsafe = jnp.sqrt(jnp.where(mask, d2, 1.0))
    n_pairs = K * (K - 1) // 2
    mean_pd = jnp.sum(jnp.where(mask, dsafe, 0.0)) / n_pairs
    compact_ref[...] = (2.0 * mean_pd).reshape(1, 1)
    counts = counts_ref[...]
    csum = jnp.sum(counts, axis=0, keepdims=True)
    util_ref[...] = (jnp.sum(jnp.abs(csum - N_TOK / K)) / K).reshape(1, 1)
    quant_ref[...] = ((sumd1_ref[0, 0] + sumd2_ref[0, 0])
                      * ((1.0 + COMMIT) / (N_TOK * DIM))).reshape(1, 1)


_dist_call = pl.pallas_call(
    _dist_body,
    grid=(NT,),
    in_specs=[
        pl.BlockSpec((T, DIM), lambda i: (i, 0)),
        pl.BlockSpec((K, DIM), lambda i: (0, 0)),
    ],
    out_specs=[
        pl.BlockSpec((1, 1, T), lambda i: (i, 0, 0)),
        pl.BlockSpec((1, K), lambda i: (0, 0)),
        pl.BlockSpec((1, 1), lambda i: (0, 0)),
    ],
    out_shape=[
        jax.ShapeDtypeStruct((NT, 1, T), jnp.int32),
        jax.ShapeDtypeStruct((1, K), jnp.float32),
        jax.ShapeDtypeStruct((1, 1), jnp.float32),
    ],
    scratch_shapes=[pltpu.VMEM((1, K), jnp.float32)],
    compiler_params=pltpu.CompilerParams(
        dimension_semantics=("arbitrary",)),
)

_aux_call = pl.pallas_call(
    _aux_body,
    out_shape=[
        jax.ShapeDtypeStruct((1, 1), jnp.float32),
        jax.ShapeDtypeStruct((1, 1), jnp.float32),
        jax.ShapeDtypeStruct((1, 1), jnp.float32),
    ],
)


@functools.lru_cache(maxsize=1)
def _make_sc_gather():
    mesh = plsc.VectorSubcoreMesh(core_axis_name="c", subcore_axis_name="s")

    @functools.partial(
        pl.kernel,
        mesh=mesh,
        out_type=jax.ShapeDtypeStruct((NH, DIM), jnp.float32),
        scratch_types=[
            pltpu.VMEM((CH, CW), jnp.int32),
            pltpu.VMEM((BPW, DIM), jnp.float32),
            pltpu.SemaphoreType.DMA,
        ],
        compiler_params=pltpu.CompilerParams(use_tc_tiling_on_sc=False),
    )
    def _sc_gather(w_hbm, idx2d_hbm, out_hbm, idx2_v, rows_v, sem):
        wid = lax.axis_index("s") * NC + lax.axis_index("c")
        base = wid * BPW
        pltpu.sync_copy(idx2d_hbm.at[pl.ds(wid * CH, CH)], idx2_v)
        copies = []
        for j in range(CH):
            copies.append(pltpu.async_copy(
                w_hbm.at[idx2_v.at[j]],
                rows_v.at[pl.ds(j * CW, CW)],
                sem))
        for c in copies:
            c.wait()
        pltpu.sync_copy(rows_v, out_hbm.at[pl.ds(base, BPW)])

    return _sc_gather


def kernel(x, W):
    gather = _make_sc_gather()
    idx3_1, counts1, sumd1 = _dist_call(x[:NH], W)
    q1 = gather(W, idx3_1.reshape(NH // CW, CW))
    idx3_2, counts2, sumd2 = _dist_call(x[NH:], W)
    q2 = gather(W, idx3_2.reshape(NH // CW, CW))
    counts = jnp.concatenate([counts1, counts2], axis=0)
    compact_loss, util_loss, quant_loss = _aux_call(
        W, counts, sumd1, sumd2)
    idx = jnp.concatenate(
        [idx3_1.reshape(NH), idx3_2.reshape(NH)])
    quantized = jnp.concatenate([q1, q2], axis=0)
    return (quantized, quant_loss[0, 0], util_loss[0, 0],
            compact_loss[0, 0], idx)

# --- scband reference (transcript-rebuilt; emitter-appended) ---
"""Pipeline reference for scband-vector-quantizer-3178275799663 (READ-ONLY COPY).

The authoritative reference and input builder live on the scoring server;
editing this copy changes nothing except your own understanding.
"""

import jax, jax.numpy as jnp
import numpy as np

VECTOR_NUM = 1024
VECTOR_DIM = 64
COMMITMENT_WEIGHT = 0.25
N_TOKENS = 18432


def setup_inputs(seed: int = 0) -> dict:
    key = jax.random.key(seed)
    kx, kw = jax.random.split(key)
    x = jax.random.normal(kx, (N_TOKENS, VECTOR_DIM), dtype=jnp.float32)
    # codebook initialized uniform(-1/K, 1/K) as in torch module
    W = jax.random.uniform(kw, (VECTOR_NUM, VECTOR_DIM), dtype=jnp.float32,
                           minval=-1.0 / VECTOR_NUM, maxval=1.0 / VECTOR_NUM)
    return {"x": x, "W": W}


def _mean_pdist(W):
    # torch.pdist(W, p=2): mean over upper-triangular (i<j) pairwise L2 distances
    sq = jnp.sum(W ** 2, axis=1)
    d2 = sq[:, None] + sq[None, :] - 2.0 * (W @ W.T)
    d2 = jnp.maximum(d2, 0.0)
    K = W.shape[0]
    mask = jnp.triu(jnp.ones((K, K), dtype=bool), k=1)
    d2_safe = jnp.where(mask, d2, 1.0)
    d = jnp.sqrt(d2_safe)
    n_pairs = K * (K - 1) // 2
    return jnp.sum(jnp.where(mask, d, 0.0)) / n_pairs


def reference(x, W):
    K = W.shape[0]
    distances = (jnp.sum(x ** 2, axis=1, keepdims=True)
                 + jnp.sum(W ** 2, axis=1)
                 - 2.0 * jnp.matmul(x, W.T))
    vector_indices = jnp.argmin(distances, axis=1)
    encodings = jax.nn.one_hot(vector_indices, K, dtype=jnp.float32)
    quantized = jnp.matmul(encodings, W)
    e_latent_loss = jnp.mean((jax.lax.stop_gradient(quantized) - x) ** 2)
    q_latent_loss = jnp.mean((quantized - jax.lax.stop_gradient(x)) ** 2)
    quant_loss = q_latent_loss + COMMITMENT_WEIGHT * e_latent_loss
    quantized_st = x + jax.lax.stop_gradient(quantized - x)
    counts = jnp.sum(encodings, axis=0)
    batch_size = x.shape[0]
    util_loss = jnp.mean(jnp.abs(counts - batch_size / K))
    compact_loss = 2.0 * _mean_pdist(W)
    return (quantized_st, quant_loss, util_loss, compact_loss, vector_indices)

if __name__ == "__main__":
    import jax
    _d = setup_inputs()
    print(jax.jit(kernel)(*tuple(_d.values())))

</pallas_src>

<mosaic_0001>
#map = affine_map<(d0, d1) -> (0, 0)>
module attributes {stable_mosaic.version = 14 : i64} {
  func.func @_sc_gather(%arg0: i32, %arg1: i32, %arg2: memref<1024x64xf32, #tpu.memory_space<hbm>>, %arg3: memref<96x96xi32, #tpu.memory_space<hbm>>, %arg4: memref<9216x64xf32, #tpu.memory_space<hbm>>, %arg5: memref<3x96xi32, #tpu.memory_space<vmem>>, %arg6: memref<288x64xf32, #tpu.memory_space<vmem>>, %arg7: memref<!tpu.dma_semaphore, #tpu.memory_space<semaphore_mem>>) attributes {dimension_semantics = [#tpu.dimension_semantics<core_parallel>, #tpu.dimension_semantics<subcore_parallel>], iteration_bounds = array<i64: 2, 16>, scalar_prefetch = 0 : i64, scratch_operands = 3 : i64, tpu.core_type = #tpu.core_type<sc_vector_subcore>, window_params = [{transform_indices = #map}, {transform_indices = #map}, {transform_indices = #map}]} {
    %mul3A = arith.constant 2 : i32
    %mul3A_0 = arith.muli %arg1, %mul3A : i32
    %add3A = arith.addi %mul3A_0, %arg0 : i32
    %mul3A_1 = arith.constant 288 : i32
    %mul3A_2 = arith.muli %add3A, %mul3A_1 : i32
    %mul3A_3 = arith.constant 3 : i32
    %mul3A_4 = arith.muli %add3A, %mul3A_3 : i32
    "tpu.region"() ({
      %run_scoped3A = tpu.sem_alloc : memref<!tpu.dma_semaphore, #tpu.memory_space<semaphore_mem>>
      %dma_start3A_63 = arith.constant 0 : i32
      %dma_start3A_64 = tpu.memref_slice %arg3[%mul3A_4, %dma_start3A_63] : memref<96x96xi32, #tpu.memory_space<hbm>> -> memref<3x96xi32, #tpu.memory_space<hbm>>
      %dma_start3A_65 = arith.constant 0 : i32
      %dma_start3A_66 = tpu.memref_slice %arg3[%mul3A_4, %dma_start3A_65] : memref<96x96xi32, #tpu.memory_space<hbm>> -> memref<3x96xi32, #tpu.memory_space<hbm>>
      tpu.enqueue_dma source(%dma_start3A_66 : memref<3x96xi32, #tpu.memory_space<hbm>>) target(%arg5 : memref<3x96xi32, #tpu.memory_space<vmem>>) target_semaphore(%run_scoped3A : memref<!tpu.dma_semaphore, #tpu.memory_space<semaphore_mem>>)
      %dma_wait3A_67 = arith.constant 0 : i32
      %dma_wait3A_68 = tpu.memref_slice %arg3[%mul3A_4, %dma_wait3A_67] : memref<96x96xi32, #tpu.memory_space<hbm>> -> memref<3x96xi32, #tpu.memory_space<hbm>>
      %dma_wait3A_69 = arith.constant 0 : i32
      %dma_wait3A_70 = tpu.memref_slice %arg3[%mul3A_4, %dma_wait3A_69] : memref<96x96xi32, #tpu.memory_space<hbm>> -> memref<3x96xi32, #tpu.memory_space<hbm>>
      tpu.wait_dma2 semaphore(%run_scoped3A : memref<!tpu.dma_semaphore, #tpu.memory_space<semaphore_mem>>) src(%dma_wait3A_70 : memref<3x96xi32, #tpu.memory_space<hbm>>) dst(%arg5 : memref<3x96xi32, #tpu.memory_space<vmem>>)
      tpu.yield
    }) : () -> ()
    %dma_start3A = arith.constant 0 : i32
    %dma_start3A_5 = arith.constant 0 : i32
    %dma_start3A_6 = arith.constant 0 : i32
    %dma_start3A_7 = tpu.memref_slice %arg6[%dma_start3A_5, %dma_start3A_6] : memref<288x64xf32, #tpu.memory_space<vmem>> -> memref<96x64xf32, #tpu.memory_space<vmem>>
    %dma_start3A_8 = arith.constant 0 : i32
    %dma_start3A_9 = tpu.memref_slice %arg5[%dma_start3A, %dma_start3A_8] : memref<3x96xi32, #tpu.memory_space<vmem>> -> memref<1x96xi32, #tpu.memory_space<vmem>>
    %dma_start3A_10 = tpu.memref_squeeze %dma_start3A_9 : memref<1x96xi32, #tpu.memory_space<vmem>> -> memref<96xi32, #tpu.memory_space<vmem>>
    %dma_start3A_11 = arith.constant 0 : i32
    %dma_start3A_12 = arith.constant 0 : i32
    %dma_start3A_13 = tpu.memref_slice %arg2[%dma_start3A_11, %dma_start3A_12] : memref<1024x64xf32, #tpu.memory_space<hbm>> -> memref<1024x64xf32, #tpu.memory_space<hbm>>
    tpu.enqueue_indirect_dma source(%dma_start3A_13 : memref<1024x64xf32, #tpu.memory_space<hbm>>) target(%dma_start3A_7 : memref<96x64xf32, #tpu.memory_space<vmem>>) offsets(%dma_start3A_10 : memref<96xi32, #tpu.memory_space<vmem>>) semaphore(%arg7 : memref<!tpu.dma_semaphore, #tpu.memory_space<semaphore_mem>>)
    %dma_start3A_14 = arith.constant 1 : i32
    %dma_start3A_15 = arith.constant 96 : i32
    %dma_start3A_16 = arith.constant 0 : i32
    %dma_start3A_17 = tpu.memref_slice %arg6[%dma_start3A_15, %dma_start3A_16] : memref<288x64xf32, #tpu.memory_space<vmem>> -> memref<96x64xf32, #tpu.memory_space<vmem>>
    %dma_start3A_18 = arith.constant 0 : i32
    %dma_start3A_19 = tpu.memref_slice %arg5[%dma_start3A_14, %dma_start3A_18] : memref<3x96xi32, #tpu.memory_space<vmem>> -> memref<1x96xi32, #tpu.memory_space<vmem>>
    %dma_start3A_20 = tpu.memref_squeeze %dma_start3A_19 : memref<1x96xi32, #tpu.memory_space<vmem>> -> memref<96xi32, #tpu.memory_space<vmem>>
    %dma_start3A_21 = arith.constant 0 : i32
    %dma_start3A_22 = arith.constant 0 : i32
    %dma_start3A_23 = tpu.memref_slice %arg2[%dma_start3A_21, %dma_start3A_22] : memref<1024x64xf32, #tpu.memory_space<hbm>> -> memref<1024x64xf32, #tpu.memory_space<hbm>>
    tpu.enqueue_indirect_dma source(%dma_start3A_23 : memref<1024x64xf32, #tpu.memory_space<hbm>>) target(%dma_start3A_17 : memref<96x64xf32, #tpu.memory_space<vmem>>) offsets(%dma_start3A_20 : memref<96xi32, #tpu.memory_space<vmem>>) semaphore(%arg7 : memref<!tpu.dma_semaphore, #tpu.memory_space<semaphore_mem>>)
    %dma_start3A_24 = arith.constant 2 : i32
    %dma_start3A_25 = arith.constant 192 : i32
    %dma_start3A_26 = arith.constant 0 : i32
    %dma_start3A_27 = tpu.memref_slice %arg6[%dma_start3A_25, %dma_start3A_26] : memref<288x64xf32, #tpu.memory_space<vmem>> -> memref<96x64xf32, #tpu.memory_space<vmem>>
    %dma_start3A_28 = arith.constant 0 : i32
    %dma_start3A_29 = tpu.memref_slice %arg5[%dma_start3A_24, %dma_start3A_28] : memref<3x96xi32, #tpu.memory_space<vmem>> -> memref<1x96xi32, #tpu.memory_space<vmem>>
    %dma_start3A_30 = tpu.memref_squeeze %dma_start3A_29 : memref<1x96xi32, #tpu.memory_space<vmem>> -> memref<96xi32, #tpu.memory_space<vmem>>
    %dma_start3A_31 = arith.constant 0 : i32
    %dma_start3A_32 = arith.constant 0 : i32
    %dma_start3A_33 = tpu.memref_slice %arg2[%dma_start3A_31, %dma_start3A_32] : memref<1024x64xf32, #tpu.memory_space<hbm>> -> memref<1024x64xf32, #tpu.memory_space<hbm>>
    tpu.enqueue_indirect_dma source(%dma_start3A_33 : memref<1024x64xf32, #tpu.memory_space<hbm>>) target(%dma_start3A_27 : memref<96x64xf32, #tpu.memory_space<vmem>>) offsets(%dma_start3A_30 : memref<96xi32, #tpu.memory_space<vmem>>) semaphore(%arg7 : memref<!tpu.dma_semaphore, #tpu.memory_space<semaphore_mem>>)
    %dma_wait3A = arith.constant 0 : i32
    %dma_wait3A_34 = arith.constant 0 : i32
    %dma_wait3A_35 = arith.constant 0 : i32
    %dma_wait3A_36 = tpu.memref_slice %arg6[%dma_wait3A_34, %dma_wait3A_35] : memref<288x64xf32, #tpu.memory_space<vmem>> -> memref<96x64xf32, #tpu.memory_space<vmem>>
    %dma_wait3A_37 = arith.constant 0 : i32
    %dma_wait3A_38 = tpu.memref_slice %arg5[%dma_wait3A, %dma_wait3A_37] : memref<3x96xi32, #tpu.memory_space<vmem>> -> memref<1x96xi32, #tpu.memory_space<vmem>>
    %dma_wait3A_39 = tpu.memref_squeeze %dma_wait3A_38 : memref<1x96xi32, #tpu.memory_space<vmem>> -> memref<96xi32, #tpu.memory_space<vmem>>
    %dma_wait3A_40 = arith.constant 0 : i32
    %dma_wait3A_41 = arith.constant 0 : i32
    %dma_wait3A_42 = tpu.memref_slice %arg2[%dma_wait3A_40, %dma_wait3A_41] : memref<1024x64xf32, #tpu.memory_space<hbm>> -> memref<1024x64xf32, #tpu.memory_space<hbm>>
    tpu.wait_indirect_dma semaphore(%arg7 : memref<!tpu.dma_semaphore, #tpu.memory_space<semaphore_mem>>) src(%dma_wait3A_42 : memref<1024x64xf32, #tpu.memory_space<hbm>>) dst(%dma_wait3A_36 : memref<96x64xf32, #tpu.memory_space<vmem>>)
    %dma_wait3A_43 = arith.constant 1 : i32
    %dma_wait3A_44 = arith.constant 96 : i32
    %dma_wait3A_45 = arith.constant 0 : i32
    %dma_wait3A_46 = tpu.memref_slice %arg6[%dma_wait3A_44, %dma_wait3A_45] : memref<288x64xf32, #tpu.memory_space<vmem>> -> memref<96x64xf32, #tpu.memory_space<vmem>>
    %dma_wait3A_47 = arith.constant 0 : i32
    %dma_wait3A_48 = tpu.memref_slice %arg5[%dma_wait3A_43, %dma_wait3A_47] : memref<3x96xi32, #tpu.memory_space<vmem>> -> memref<1x96xi32, #tpu.memory_space<vmem>>
    %dma_wait3A_49 = tpu.memref_squeeze %dma_wait3A_48 : memref<1x96xi32, #tpu.memory_space<vmem>> -> memref<96xi32, #tpu.memory_space<vmem>>
    %dma_wait3A_50 = arith.constant 0 : i32
    %dma_wait3A_51 = arith.constant 0 : i32
    %dma_wait3A_52 = tpu.memref_slice %arg2[%dma_wait3A_50, %dma_wait3A_51] : memref<1024x64xf32, #tpu.memory_space<hbm>> -> memref<1024x64xf32, #tpu.memory_space<hbm>>
    tpu.wait_indirect_dma semaphore(%arg7 : memref<!tpu.dma_semaphore, #tpu.memory_space<semaphore_mem>>) src(%dma_wait3A_52 : memref<1024x64xf32, #tpu.memory_space<hbm>>) dst(%dma_wait3A_46 : memref<96x64xf32, #tpu.memory_space<vmem>>)
    %dma_wait3A_53 = arith.constant 2 : i32
    %dma_wait3A_54 = arith.constant 192 : i32
    %dma_wait3A_55 = arith.constant 0 : i32
    %dma_wait3A_56 = tpu.memref_slice %arg6[%dma_wait3A_54, %dma_wait3A_55] : memref<288x64xf32, #tpu.memory_space<vmem>> -> memref<96x64xf32, #tpu.memory_space<vmem>>
    %dma_wait3A_57 = arith.constant 0 : i32
    %dma_wait3A_58 = tpu.memref_slice %arg5[%dma_wait3A_53, %dma_wait3A_57] : memref<3x96xi32, #tpu.memory_space<vmem>> -> memref<1x96xi32, #tpu.memory_space<vmem>>
    %dma_wait3A_59 = tpu.memref_squeeze %dma_wait3A_58 : memref<1x96xi32, #tpu.memory_space<vmem>> -> memref<96xi32, #tpu.memory_space<vmem>>
    %dma_wait3A_60 = arith.constant 0 : i32
    %dma_wait3A_61 = arith.constant 0 : i32
    %dma_wait3A_62 = tpu.memref_slice %arg2[%dma_wait3A_60, %dma_wait3A_61] : memref<1024x64xf32, #tpu.memory_space<hbm>> -> memref<1024x64xf32, #tpu.memory_space<hbm>>
    tpu.wait_indirect_dma semaphore(%arg7 : memref<!tpu.dma_semaphore, #tpu.memory_space<semaphore_mem>>) src(%dma_wait3A_62 : memref<1024x64xf32, #tpu.memory_space<hbm>>) dst(%dma_wait3A_56 : memref<96x64xf32, #tpu.memory_space<vmem>>)
    "tpu.region"() ({
      %run_scoped3A = tpu.sem_alloc : memref<!tpu.dma_semaphore, #tpu.memory_space<semaphore_mem>>
      %dma_start3A_63 = arith.constant 0 : i32
      %dma_start3A_64 = tpu.memref_slice %arg4[%mul3A_2, %dma_start3A_63] : memref<9216x64xf32, #tpu.memory_space<hbm>> -> memref<288x64xf32, #tpu.memory_space<hbm>>
      %dma_start3A_65 = arith.constant 0 : i32
      %dma_start3A_66 = tpu.memref_slice %arg4[%mul3A_2, %dma_start3A_65] : memref<9216x64xf32, #tpu.memory_space<hbm>> -> memref<288x64xf32, #tpu.memory_space<hbm>>
      tpu.enqueue_dma source(%arg6 : memref<288x64xf32, #tpu.memory_space<vmem>>) target(%dma_start3A_66 : memref<288x64xf32, #tpu.memory_space<hbm>>) target_semaphore(%run_scoped3A : memref<!tpu.dma_semaphore, #tpu.memory_space<semaphore_mem>>)
      %dma_wait3A_67 = arith.constant 0 : i32
      %dma_wait3A_68 = tpu.memref_slice %arg4[%mul3A_2, %dma_wait3A_67] : memref<9216x64xf32, #tpu.memory_space<hbm>> -> memref<288x64xf32, #tpu.memory_space<hbm>>
      %dma_wait3A_69 = arith.constant 0 : i32
      %dma_wait3A_70 = tpu.memref_slice %arg4[%mul3A_2, %dma_wait3A_69] : memref<9216x64xf32, #tpu.memory_space<hbm>> -> memref<288x64xf32, #tpu.memory_space<hbm>>
      tpu.wait_dma2 semaphore(%run_scoped3A : memref<!tpu.dma_semaphore, #tpu.memory_space<semaphore_mem>>) src(%arg6 : memref<288x64xf32, #tpu.memory_space<vmem>>) dst(%dma_wait3A_70 : memref<288x64xf32, #tpu.memory_space<hbm>>)
      tpu.yield
    }) : () -> ()
    return
  }
}

#map = affine_map<(d0, d1) -> (0, 0)>
module attributes {stable_mosaic.version = 14 : i64} {
  func.func @_sc_gather(%arg0: i32, %arg1: i32, %arg2: memref<1024x64xf32, #tpu.memory_space<hbm>>, %arg3: memref<96x96xi32, #tpu.memory_space<hbm>>, %arg4: memref<9216x64xf32, #tpu.memory_space<hbm>>, %arg5: memref<3x96xi32, #tpu.memory_space<vmem>>, %arg6: memref<288x64xf32, #tpu.memory_space<vmem>>, %arg7: memref<!tpu.dma_semaphore, #tpu.memory_space<semaphore_mem>>) attributes {dimension_semantics = [#tpu.dimension_semantics<core_parallel>, #tpu.dimension_semantics<subcore_parallel>], iteration_bounds = array<i64: 2, 16>, scalar_prefetch = 0 : i64, scratch_operands = 3 : i64, tpu.core_type = #tpu.core_type<sc_vector_subcore>, window_params = [{transform_indices = #map}, {transform_indices = #map}, {transform_indices = #map}]} {
    %mul3A = arith.constant 2 : i32
    %mul3A_0 = arith.muli %arg1, %mul3A : i32
    %add3A = arith.addi %mul3A_0, %arg0 : i32
    %mul3A_1 = arith.constant 288 : i32
    %mul3A_2 = arith.muli %add3A, %mul3A_1 : i32
    %mul3A_3 = arith.constant 3 : i32
    %mul3A_4 = arith.muli %add3A, %mul3A_3 : i32
    "tpu.region"() ({
      %run_scoped3A = tpu.sem_alloc : memref<!tpu.dma_semaphore, #tpu.memory_space<semaphore_mem>>
      %dma_start3A_63 = arith.constant 0 : i32
      %dma_start3A_64 = tpu.memref_slice %arg3[%mul3A_4, %dma_start3A_63] : memref<96x96xi32, #tpu.memory_space<hbm>> -> memref<3x96xi32, #tpu.memory_space<hbm>>
      %dma_start3A_65 = arith.constant 0 : i32
      %dma_start3A_66 = tpu.memref_slice %arg3[%mul3A_4, %dma_start3A_65] : memref<96x96xi32, #tpu.memory_space<hbm>> -> memref<3x96xi32, #tpu.memory_space<hbm>>
      tpu.enqueue_dma source(%dma_start3A_66 : memref<3x96xi32, #tpu.memory_space<hbm>>) target(%arg5 : memref<3x96xi32, #tpu.memory_space<vmem>>) target_semaphore(%run_scoped3A : memref<!tpu.dma_semaphore, #tpu.memory_space<semaphore_mem>>)
      %dma_wait3A_67 = arith.constant 0 : i32
      %dma_wait3A_68 = tpu.memref_slice %arg3[%mul3A_4, %dma_wait3A_67] : memref<96x96xi32, #tpu.memory_space<hbm>> -> memref<3x96xi32, #tpu.memory_space<hbm>>
      %dma_wait3A_69 = arith.constant 0 : i32
      %dma_wait3A_70 = tpu.memref_slice %arg3[%mul3A_4, %dma_wait3A_69] : memref<96x96xi32, #tpu.memory_space<hbm>> -> memref<3x96xi32, #tpu.memory_space<hbm>>
      tpu.wait_dma2 semaphore(%run_scoped3A : memref<!tpu.dma_semaphore, #tpu.memory_space<semaphore_mem>>) src(%dma_wait3A_70 : memref<3x96xi32, #tpu.memory_space<hbm>>) dst(%arg5 : memref<3x96xi32, #tpu.memory_space<vmem>>)
      tpu.yield
    }) : () -> ()
    %dma_start3A = arith.constant 0 : i32
    %dma_start3A_5 = arith.constant 0 : i32
    %dma_start3A_6 = arith.constant 0 : i32
    %dma_start3A_7 = tpu.memref_slice %arg6[%dma_start3A_5, %dma_start3A_6] : memref<288x64xf32, #tpu.memory_space<vmem>> -> memref<96x64xf32, #tpu.memory_space<vmem>>
    %dma_start3A_8 = arith.constant 0 : i32
    %dma_start3A_9 = tpu.memref_slice %arg5[%dma_start3A, %dma_start3A_8] : memref<3x96xi32, #tpu.memory_space<vmem>> -> memref<1x96xi32, #tpu.memory_space<vmem>>
    %dma_start3A_10 = tpu.memref_squeeze %dma_start3A_9 : memref<1x96xi32, #tpu.memory_space<vmem>> -> memref<96xi32, #tpu.memory_space<vmem>>
    %dma_start3A_11 = arith.constant 0 : i32
    %dma_start3A_12 = arith.constant 0 : i32
    %dma_start3A_13 = tpu.memref_slice %arg2[%dma_start3A_11, %dma_start3A_12] : memref<1024x64xf32, #tpu.memory_space<hbm>> -> memref<1024x64xf32, #tpu.memory_space<hbm>>
    tpu.enqueue_indirect_dma source(%dma_start3A_13 : memref<1024x64xf32, #tpu.memory_space<hbm>>) target(%dma_start3A_7 : memref<96x64xf32, #tpu.memory_space<vmem>>) offsets(%dma_start3A_10 : memref<96xi32, #tpu.memory_space<vmem>>) semaphore(%arg7 : memref<!tpu.dma_semaphore, #tpu.memory_space<semaphore_mem>>)
    %dma_start3A_14 = arith.constant 1 : i32
    %dma_start3A_15 = arith.constant 96 : i32
    %dma_start3A_16 = arith.constant 0 : i32
    %dma_start3A_17 = tpu.memref_slice %arg6[%dma_start3A_15, %dma_start3A_16] : memref<288x64xf32, #tpu.memory_space<vmem>> -> memref<96x64xf32, #tpu.memory_space<vmem>>
    %dma_start3A_18 = arith.constant 0 : i32
    %dma_start3A_19 = tpu.memref_slice %arg5[%dma_start3A_14, %dma_start3A_18] : memref<3x96xi32, #tpu.memory_space<vmem>> -> memref<1x96xi32, #tpu.memory_space<vmem>>
    %dma_start3A_20 = tpu.memref_squeeze %dma_start3A_19 : memref<1x96xi32, #tpu.memory_space<vmem>> -> memref<96xi32, #tpu.memory_space<vmem>>
    %dma_start3A_21 = arith.constant 0 : i32
    %dma_start3A_22 = arith.constant 0 : i32
    %dma_start3A_23 = tpu.memref_slice %arg2[%dma_start3A_21, %dma_start3A_22] : memref<1024x64xf32, #tpu.memory_space<hbm>> -> memref<1024x64xf32, #tpu.memory_space<hbm>>
    tpu.enqueue_indirect_dma source(%dma_start3A_23 : memref<1024x64xf32, #tpu.memory_space<hbm>>) target(%dma_start3A_17 : memref<96x64xf32, #tpu.memory_space<vmem>>) offsets(%dma_start3A_20 : memref<96xi32, #tpu.memory_space<vmem>>) semaphore(%arg7 : memref<!tpu.dma_semaphore, #tpu.memory_space<semaphore_mem>>)
    %dma_start3A_24 = arith.constant 2 : i32
    %dma_start3A_25 = arith.constant 192 : i32
    %dma_start3A_26 = arith.constant 0 : i32
    %dma_start3A_27 = tpu.memref_slice %arg6[%dma_start3A_25, %dma_start3A_26] : memref<288x64xf32, #tpu.memory_space<vmem>> -> memref<96x64xf32, #tpu.memory_space<vmem>>
    %dma_start3A_28 = arith.constant 0 : i32
    %dma_start3A_29 = tpu.memref_slice %arg5[%dma_start3A_24, %dma_start3A_28] : memref<3x96xi32, #tpu.memory_space<vmem>> -> memref<1x96xi32, #tpu.memory_space<vmem>>
    %dma_start3A_30 = tpu.memref_squeeze %dma_start3A_29 : memref<1x96xi32, #tpu.memory_space<vmem>> -> memref<96xi32, #tpu.memory_space<vmem>>
    %dma_start3A_31 = arith.constant 0 : i32
    %dma_start3A_32 = arith.constant 0 : i32
    %dma_start3A_33 = tpu.memref_slice %arg2[%dma_start3A_31, %dma_start3A_32] : memref<1024x64xf32, #tpu.memory_space<hbm>> -> memref<1024x64xf32, #tpu.memory_space<hbm>>
    tpu.enqueue_indirect_dma source(%dma_start3A_33 : memref<1024x64xf32, #tpu.memory_space<hbm>>) target(%dma_start3A_27 : memref<96x64xf32, #tpu.memory_space<vmem>>) offsets(%dma_start3A_30 : memref<96xi32, #tpu.memory_space<vmem>>) semaphore(%arg7 : memref<!tpu.dma_semaphore, #tpu.memory_space<semaphore_mem>>)
    %dma_wait3A = arith.constant 0 : i32
    %dma_wait3A_34 = arith.constant 0 : i32
    %dma_wait3A_35 = arith.constant 0 : i32
    %dma_wait3A_36 = tpu.memref_slice %arg6[%dma_wait3A_34, %dma_wait3A_35] : memref<288x64xf32, #tpu.memory_space<vmem>> -> memref<96x64xf32, #tpu.memory_space<vmem>>
    %dma_wait3A_37 = arith.constant 0 : i32
    %dma_wait3A_38 = tpu.memref_slice %arg5[%dma_wait3A, %dma_wait3A_37] : memref<3x96xi32, #tpu.memory_space<vmem>> -> memref<1x96xi32, #tpu.memory_space<vmem>>
    %dma_wait3A_39 = tpu.memref_squeeze %dma_wait3A_38 : memref<1x96xi32, #tpu.memory_space<vmem>> -> memref<96xi32, #tpu.memory_space<vmem>>
    %dma_wait3A_40 = arith.constant 0 : i32
    %dma_wait3A_41 = arith.constant 0 : i32
    %dma_wait3A_42 = tpu.memref_slice %arg2[%dma_wait3A_40, %dma_wait3A_41] : memref<1024x64xf32, #tpu.memory_space<hbm>> -> memref<1024x64xf32, #tpu.memory_space<hbm>>
    tpu.wait_indirect_dma semaphore(%arg7 : memref<!tpu.dma_semaphore, #tpu.memory_space<semaphore_mem>>) src(%dma_wait3A_42 : memref<1024x64xf32, #tpu.memory_space<hbm>>) dst(%dma_wait3A_36 : memref<96x64xf32, #tpu.memory_space<vmem>>)
    %dma_wait3A_43 = arith.constant 1 : i32
    %dma_wait3A_44 = arith.constant 96 : i32
    %dma_wait3A_45 = arith.constant 0 : i32
    %dma_wait3A_46 = tpu.memref_slice %arg6[%dma_wait3A_44, %dma_wait3A_45] : memref<288x64xf32, #tpu.memory_space<vmem>> -> memref<96x64xf32, #tpu.memory_space<vmem>>
    %dma_wait3A_47 = arith.constant 0 : i32
    %dma_wait3A_48 = tpu.memref_slice %arg5[%dma_wait3A_43, %dma_wait3A_47] : memref<3x96xi32, #tpu.memory_space<vmem>> -> memref<1x96xi32, #tpu.memory_space<vmem>>
    %dma_wait3A_49 = tpu.memref_squeeze %dma_wait3A_48 : memref<1x96xi32, #tpu.memory_space<vmem>> -> memref<96xi32, #tpu.memory_space<vmem>>
    %dma_wait3A_50 = arith.constant 0 : i32
    %dma_wait3A_51 = arith.constant 0 : i32
    %dma_wait3A_52 = tpu.memref_slice %arg2[%dma_wait3A_50, %dma_wait3A_51] : memref<1024x64xf32, #tpu.memory_space<hbm>> -> memref<1024x64xf32, #tpu.memory_space<hbm>>
    tpu.wait_indirect_dma semaphore(%arg7 : memref<!tpu.dma_semaphore, #tpu.memory_space<semaphore_mem>>) src(%dma_wait3A_52 : memref<1024x64xf32, #tpu.memory_space<hbm>>) dst(%dma_wait3A_46 : memref<96x64xf32, #tpu.memory_space<vmem>>)
    %dma_wait3A_53 = arith.constant 2 : i32
    %dma_wait3A_54 = arith.constant 192 : i32
    %dma_wait3A_55 = arith.constant 0 : i32
    %dma_wait3A_56 = tpu.memref_slice %arg6[%dma_wait3A_54, %dma_wait3A_55] : memref<288x64xf32, #tpu.memory_space<vmem>> -> memref<96x64xf32, #tpu.memory_space<vmem>>
    %dma_wait3A_57 = arith.constant 0 : i32
    %dma_wait3A_58 = tpu.memref_slice %arg5[%dma_wait3A_53, %dma_wait3A_57] : memref<3x96xi32, #tpu.memory_space<vmem>> -> memref<1x96xi32, #tpu.memory_space<vmem>>
    %dma_wait3A_59 = tpu.memref_squeeze %dma_wait3A_58 : memref<1x96xi32, #tpu.memory_space<vmem>> -> memref<96xi32, #tpu.memory_space<vmem>>
    %dma_wait3A_60 = arith.constant 0 : i32
    %dma_wait3A_61 = arith.constant 0 : i32
    %dma_wait3A_62 = tpu.memref_slice %arg2[%dma_wait3A_60, %dma_wait3A_61] : memref<1024x64xf32, #tpu.memory_space<hbm>> -> memref<1024x64xf32, #tpu.memory_space<hbm>>
    tpu.wait_indirect_dma semaphore(%arg7 : memref<!tpu.dma_semaphore, #tpu.memory_space<semaphore_mem>>) src(%dma_wait3A_62 : memref<1024x64xf32, #tpu.memory_space<hbm>>) dst(%dma_wait3A_56 : memref<96x64xf32, #tpu.memory_space<vmem>>)
    "tpu.region"() ({
      %run_scoped3A = tpu.sem_alloc : memref<!tpu.dma_semaphore, #tpu.memory_space<semaphore_mem>>
      %dma_start3A_63 = arith.constant 0 : i32
      %dma_start3A_64 = tpu.memref_slice %arg4[%mul3A_2, %dma_start3A_63] : memref<9216x64xf32, #tpu.memory_space<hbm>> -> memref<288x64xf32, #tpu.memory_space<hbm>>
      %dma_start3A_65 = arith.constant 0 : i32
      %dma_start3A_66 = tpu.memref_slice %arg4[%mul3A_2, %dma_start3A_65] : memref<9216x64xf32, #tpu.memory_space<hbm>> -> memref<288x64xf32, #tpu.memory_space<hbm>>
      tpu.enqueue_dma source(%arg6 : memref<288x64xf32, #tpu.memory_space<vmem>>) target(%dma_start3A_66 : memref<288x64xf32, #tpu.memory_space<hbm>>) target_semaphore(%run_scoped3A : memref<!tpu.dma_semaphore, #tpu.memory_space<semaphore_mem>>)
      %dma_wait3A_67 = arith.constant 0 : i32
      %dma_wait3A_68 = tpu.memref_slice %arg4[%mul3A_2, %dma_wait3A_67] : memref<9216x64xf32, #tpu.memory_space<hbm>> -> memref<288x64xf32, #tpu.memory_space<hbm>>
      %dma_wait3A_69 = arith.constant 0 : i32
      %dma_wait3A_70 = tpu.memref_slice %arg4[%mul3A_2, %dma_wait3A_69] : memref<9216x64xf32, #tpu.memory_space<hbm>> -> memref<288x64xf32, #tpu.memory_space<hbm>>
      tpu.wait_dma2 semaphore(%run_scoped3A : memref<!tpu.dma_semaphore, #tpu.memory_space<semaphore_mem>>) src(%arg6 : memref<288x64xf32, #tpu.memory_space<vmem>>) dst(%dma_wait3A_70 : memref<288x64xf32, #tpu.memory_space<hbm>>)
      tpu.yield
    }) : () -> ()
    return
  }
}

module attributes {stable_mosaic.version = 14 : i64} {
  func.func @_dist_body(%arg0: i32, %arg1: memref<1024x64xf32, #tpu.memory_space<vmem>>, %arg2: memref<1024x64xf32, #tpu.memory_space<vmem>>, %arg3: memref<1x1x1024xi32, #tpu.memory_space<vmem>>, %arg4: memref<1x1024xf32, #tpu.memory_space<vmem>>, %arg5: memref<1x1xf32, #tpu.memory_space<vmem>>, %arg6: memref<1x1024xf32, #tpu.memory_space<vmem>>) attributes {dimension_semantics = [#tpu.dimension_semantics<arbitrary>], iteration_bounds = array<i64: 9>, scalar_prefetch = 0 : i64, scratch_operands = 1 : i64, tpu.core_type = #tpu.core_type<tc>, window_params = [{transform_indices = @transform_0, window_bounds = array<i64: 1024, 64>}, {pipeline_mode = #tpu.pipeline_mode<synchronous>, transform_indices = @transform_1, window_bounds = array<i64: 1024, 64>}, {transform_indices = @transform_2, window_bounds = array<i64: 1, 1, 1024>}, {pipeline_mode = #tpu.pipeline_mode<synchronous>, transform_indices = @transform_3, window_bounds = array<i64: 1, 1024>}, {pipeline_mode = #tpu.pipeline_mode<synchronous>, transform_indices = @transform_4, window_bounds = array<i64: 1, 1>}]} {
    %get3A = arith.constant 0 : index
    %get3A_0 = arith.constant 0 : index
    %get3A_1 = vector.load %arg2[%get3A, %get3A_0] : memref<1024x64xf32, #tpu.memory_space<vmem>>, vector<1024x64xf32>
    %eq3A = arith.constant 0 : i32
    %eq3A_2 = arith.cmpi eq, %arg0, %eq3A : i32
    %convert_element_type3A = arith.extui %eq3A_2 : i1 to i32
    %cond3A = arith.constant 0 : i32
    %cond3A_3 = arith.cmpi ne, %convert_element_type3A, %cond3A : i32
    scf.if %cond3A_3 {
      %mul3A_54 = arith.mulf %get3A_1, %get3A_1 : vector<1024x64xf32>
      %reduce_sum3A_55 = arith.constant dense<0.000000e+00> : vector<1024xf32>
      %reduce_sum3A_56 = vector.multi_reduction <add>, %mul3A_54, %reduce_sum3A_55 [1] : vector<1024x64xf32> to vector<1024xf32>
      %broadcast_in_dim3A_57 = vector.shape_cast %reduce_sum3A_56 : vector<1024xf32> to vector<1x1024xf32>
      %swap3A_58 = arith.constant 0 : index
      %swap3A_59 = arith.constant 0 : index
      %swap3A_60 = vector.load %arg6[%swap3A_58, %swap3A_59] : memref<1x1024xf32, #tpu.memory_space<vmem>>, vector<1x1024xf32>
      tpu.vector_store %arg6[%swap3A_58, %swap3A_59], %broadcast_in_dim3A_57 {strides = array<i32>} : memref<1x1024xf32, #tpu.memory_space<vmem>>, vector<1x1024xf32>,
      %broadcast_in_dim3A_61 = arith.constant 0.000000e+00 : f32
      %broadcast_in_dim3A_62 = vector.broadcast %broadcast_in_dim3A_61 : f32 to vector<1x1xf32>
      %swap3A_63 = arith.constant 0 : index
      %swap3A_64 = arith.constant 0 : index
      %swap3A_65 = vector.load %arg5[%swap3A_63, %swap3A_64] : memref<1x1xf32, #tpu.memory_space<vmem>>, vector<1x1xf32>
      tpu.vector_store %arg5[%swap3A_63, %swap3A_64], %broadcast_in_dim3A_62 {strides = array<i32>} : memref<1x1xf32, #tpu.memory_space<vmem>>, vector<1x1xf32>,
      %broadcast_in_dim3A_66 = arith.constant 0.000000e+00 : f32
      %broadcast_in_dim3A_67 = vector.broadcast %broadcast_in_dim3A_66 : f32 to vector<1x1024xf32>
      %swap3A_68 = arith.constant 0 : index
      %swap3A_69 = arith.constant 0 : index
      %swap3A_70 = vector.load %arg4[%swap3A_68, %swap3A_69] : memref<1x1024xf32, #tpu.memory_space<vmem>>, vector<1x1024xf32>
      tpu.vector_store %arg4[%swap3A_68, %swap3A_69], %broadcast_in_dim3A_67 {strides = array<i32>} : memref<1x1024xf32, #tpu.memory_space<vmem>>, vector<1x1024xf32>,
    } else {
    }
    %get3A_4 = arith.constant 0 : index
    %get3A_5 = arith.constant 0 : index
    %get3A_6 = vector.load %arg1[%get3A_4, %get3A_5] : memref<1024x64xf32, #tpu.memory_space<vmem>>, vector<1024x64xf32>
    %mul3A = arith.mulf %get3A_6, %get3A_6 : vector<1024x64xf32>
    %reduce_sum3A = arith.constant dense<0.000000e+00> : vector<1024xf32>
    %reduce_sum3A_7 = vector.multi_reduction <add>, %mul3A, %reduce_sum3A [1] : vector<1024x64xf32> to vector<1024xf32>
    %broadcast_in_dim3A = vector.shape_cast %reduce_sum3A_7 : vector<1024xf32> to vector<1024x1xf32>
    %add3A = arith.addf %get3A_1, %get3A_1 : vector<1024x64xf32>
    %dot_general3A = arith.constant dense<0.000000e+00> : vector<1024x1024xf32>
    %dot_general3A_8 = tpu.matmul %get3A_6, %add3A, %dot_general3A {dimension_numbers = #tpu.dot_dimension_numbers<[1], [1], [0], [0], [0, 0, 1, 0], [], []>, transpose_lhs_hint = false} : vector<1024x64xf32>, vector<1024x64xf32>, vector<1024x1024xf32> -> vector<1024x1024xf32>
    %get3A_9 = arith.constant 0 : index
    %get3A_10 = arith.constant 0 : index
    %get3A_11 = vector.load %arg6[%get3A_9, %get3A_10] : memref<1x1024xf32, #tpu.memory_space<vmem>>, vector<1x1024xf32>
    %add3A_12 = vector.broadcast %broadcast_in_dim3A : vector<1024x1xf32> to vector<1024x1024xf32>
    %add3A_13 = vector.broadcast %get3A_11 : vector<1x1024xf32> to vector<1024x1024xf32>
    %add3A_14 = arith.addf %add3A_12, %add3A_13 : vector<1024x1024xf32>
    %sub3A = arith.subf %add3A_14, %dot_general3A_8 : vector<1024x1024xf32>
    %reduce_min3A = arith.constant dense<0x7F800000> : vector<1024xf32>
    %reduce_min3A_15 = vector.multi_reduction <minimumf>, %sub3A, %reduce_min3A [1] : vector<1024x1024xf32> to vector<1024xf32>
    %broadcast_in_dim3A_16 = vector.shape_cast %reduce_min3A_15 : vector<1024xf32> to vector<1024x1xf32>
    %iota3A = tpu.iota {dimensions = array<i32: 1>} : vector<1024x1024xi32>
    %eq3A_17 = vector.broadcast %broadcast_in_dim3A_16 : vector<1024x1xf32> to vector<1024x1024xf32>
    %eq3A_18 = arith.cmpf oeq, %sub3A, %eq3A_17 : vector<1024x1024xf32>
    %jit3A = arith.constant 1024 : i32
    %broadcast_in_dim3A_19 = vector.broadcast %jit3A : i32 to vector<1024x1024xi32>
    %select_n3A = arith.select %eq3A_18, %iota3A, %broadcast_in_dim3A_19 : vector<1024x1024xi1>, vector<1024x1024xi32>
    %reduce_min3A_20 = arith.constant dense<2147483647> : vector<1024xi32>
    %reduce_min3A_21 = vector.multi_reduction <minsi>, %select_n3A, %reduce_min3A_20 [1] : vector<1024x1024xi32> to vector<1024xi32>
    %swap3A = arith.constant 0 : index
    %swap3A_22 = arith.constant 0 : index
    %swap3A_23 = arith.constant 0 : index
    %swap3A_24 = vector.load %arg3[%swap3A, %swap3A_22, %swap3A_23] : memref<1x1x1024xi32, #tpu.memory_space<vmem>>, vector<1x1x1024xi32>
    %swap3A_25 = vector.shape_cast %swap3A_24 : vector<1x1x1024xi32> to vector<1024xi32>
    %swap3A_26 = vector.shape_cast %reduce_min3A_21 : vector<1024xi32> to vector<1x1x1024xi32>
    tpu.vector_store %arg3[%swap3A, %swap3A_22, %swap3A_23], %swap3A_26 {strides = array<i32>} : memref<1x1x1024xi32, #tpu.memory_space<vmem>>, vector<1x1x1024xi32>,
    %broadcast_in_dim3A_27 = vector.shape_cast %reduce_min3A_21 : vector<1024xi32> to vector<1024x1xi32>
    %eq3A_28 = vector.broadcast %broadcast_in_dim3A_27 : vector<1024x1xi32> to vector<1024x1024xi32>
    %eq3A_29 = arith.cmpi eq, %iota3A, %eq3A_28 : vector<1024x1024xi32>
    %convert_element_type3A_30 = arith.extui %eq3A_29 : vector<1024x1024xi1> to vector<1024x1024xi32>
    %convert_element_type3A_31 = arith.sitofp %convert_element_type3A_30 : vector<1024x1024xi32> to vector<1024x1024xf32>
    %get3A_32 = arith.constant 0 : index
    %get3A_33 = arith.constant 0 : index
    %get3A_34 = vector.load %arg4[%get3A_32, %get3A_33] : memref<1x1024xf32, #tpu.memory_space<vmem>>, vector<1x1024xf32>
    %reduce_sum3A_35 = arith.constant dense<0.000000e+00> : vector<1024xf32>
    %reduce_sum3A_36 = vector.multi_reduction <add>, %convert_element_type3A_31, %reduce_sum3A_35 [0] : vector<1024x1024xf32> to vector<1024xf32>
    %reshape3A = vector.shape_cast %reduce_sum3A_36 : vector<1024xf32> to vector<1x1024xf32>
    %add3A_37 = arith.addf %get3A_34, %reshape3A : vector<1x1024xf32>
    %swap3A_38 = arith.constant 0 : index
    %swap3A_39 = arith.constant 0 : index
    %swap3A_40 = vector.load %arg4[%swap3A_38, %swap3A_39] : memref<1x1024xf32, #tpu.memory_space<vmem>>, vector<1x1024xf32>
    tpu.vector_store %arg4[%swap3A_38, %swap3A_39], %add3A_37 {strides = array<i32>} : memref<1x1024xf32, #tpu.memory_space<vmem>>, vector<1x1024xf32>,
    %get3A_41 = arith.constant 0 : index
    %get3A_42 = arith.constant 0 : index
    %get3A_43 = vector.load %arg5[%get3A_41, %get3A_42] : memref<1x1xf32, #tpu.memory_space<vmem>>, vector<1x1xf32>
    %reduce_sum3A_44 = vector.shape_cast %broadcast_in_dim3A_16 : vector<1024x1xf32> to vector<1x1024x1xf32>
    %reduce_sum3A_45 = arith.constant dense<0.000000e+00> : vector<1xf32>
    %reduce_sum3A_46 = vector.multi_reduction <add>, %reduce_sum3A_44, %reduce_sum3A_45 [1, 2] : vector<1x1024x1xf32> to vector<1xf32>
    %reduce_sum3A_47 = vector.shape_cast %reduce_sum3A_46 : vector<1xf32> to vector<1x1x1xf32>
    %reduce_sum3A_48 = vector.extract %reduce_sum3A_47[0, 0, 0] : f32 from vector<1x1x1xf32>
    %reshape3A_49 = vector.broadcast %reduce_sum3A_48 : f32 to vector<1x1xf32>
    %add3A_50 = arith.addf %get3A_43, %reshape3A_49 : vector<1x1xf32>
    %swap3A_51 = arith.constant 0 : index
    %swap3A_52 = arith.constant 0 : index
    %swap3A_53 = vector.load %arg5[%swap3A_51, %swap3A_52] : memref<1x1xf32, #tpu.memory_space<vmem>>, vector<1x1xf32>
    tpu.vector_store %arg5[%swap3A_51, %swap3A_52], %add3A_50 {strides = array<i32>} : memref<1x1xf32, #tpu.memory_space<vmem>>, vector<1x1xf32>,
    return
  }
  func.func @transform_0(%arg0: i32) -> (i32, i32) {
    %c0_i32 = arith.constant 0 : i32
    %c0_i32_0 = arith.constant 0 : i32
    return %arg0, %c0_i32 : i32, i32
  }
  func.func @transform_1(%arg0: i32) -> (i32, i32) {
    %c0_i32 = arith.constant 0 : i32
    %c0_i32_0 = arith.constant 0 : i32
    %c0_i32_1 = arith.constant 0 : i32
    return %c0_i32, %c0_i32_0 : i32, i32
  }
  func.func @transform_2(%arg0: i32) -> (i32, i32, i32) {
    %c0_i32 = arith.constant 0 : i32
    %c0_i32_0 = arith.constant 0 : i32
    %c0_i32_1 = arith.constant 0 : i32
    return %arg0, %c0_i32, %c0_i32_0 : i32, i32, i32
  }
  func.func @transform_3(%arg0: i32) -> (i32, i32) {
    %c0_i32 = arith.constant 0 : i32
    %c0_i32_0 = arith.constant 0 : i32
    %c0_i32_1 = arith.constant 0 : i32
    return %c0_i32, %c0_i32_0 : i32, i32
  }
  func.func @transform_4(%arg0: i32) -> (i32, i32) {
    %c0_i32 = arith.constant 0 : i32
    %c0_i32_0 = arith.constant 0 : i32
    %c0_i32_1 = arith.constant 0 : i32
    return %c0_i32, %c0_i32_0 : i32, i32
  }
}

module attributes {stable_mosaic.version = 14 : i64} {
  func.func @_aux_body(%arg0: memref<1024x64xf32, #tpu.memory_space<vmem>>, %arg1: memref<2x1024xf32, #tpu.memory_space<vmem>>, %arg2: memref<1x1xf32, #tpu.memory_space<vmem>>, %arg3: memref<1x1xf32, #tpu.memory_space<vmem>>, %arg4: memref<1x1xf32, #tpu.memory_space<vmem>>, %arg5: memref<1x1xf32, #tpu.memory_space<vmem>>, %arg6: memref<1x1xf32, #tpu.memory_space<vmem>>) attributes {dimension_semantics = [], scalar_prefetch = 0 : i64, scratch_operands = 0 : i64, tpu.core_type = #tpu.core_type<tc>} {
    %get3A = arith.constant 0 : index
    %get3A_0 = arith.constant 0 : index
    %get3A_1 = vector.load %arg0[%get3A, %get3A_0] : memref<1024x64xf32, #tpu.memory_space<vmem>>, vector<1024x64xf32>
    %mul3A = arith.mulf %get3A_1, %get3A_1 : vector<1024x64xf32>
    %reduce_sum3A = arith.constant dense<0.000000e+00> : vector<1024xf32>
    %reduce_sum3A_2 = vector.multi_reduction <add>, %mul3A, %reduce_sum3A [1] : vector<1024x64xf32> to vector<1024xf32>
    %dot_general3A = arith.constant dense<0.000000e+00> : vector<1024x1024xf32>
    %dot_general3A_3 = tpu.matmul %get3A_1, %get3A_1, %dot_general3A {dimension_numbers = #tpu.dot_dimension_numbers<[1], [1], [0], [0], [0, 0, 1, 0], [], []>, transpose_lhs_hint = false} : vector<1024x64xf32>, vector<1024x64xf32>, vector<1024x1024xf32> -> vector<1024x1024xf32>
    %broadcast_in_dim3A = vector.shape_cast %reduce_sum3A_2 : vector<1024xf32> to vector<1024x1xf32>
    %broadcast_in_dim3A_4 = vector.shape_cast %reduce_sum3A_2 : vector<1024xf32> to vector<1x1024xf32>
    %add3A = vector.broadcast %broadcast_in_dim3A : vector<1024x1xf32> to vector<1024x1024xf32>
    %add3A_5 = vector.broadcast %broadcast_in_dim3A_4 : vector<1x1024xf32> to vector<1024x1024xf32>
    %add3A_6 = arith.addf %add3A, %add3A_5 : vector<1024x1024xf32>
    %mul3A_7 = arith.constant 2.000000e+00 : f32
    %mul3A_8 = vector.broadcast %mul3A_7 : f32 to vector<1024x1024xf32>
    %mul3A_9 = arith.mulf %mul3A_8, %dot_general3A_3 : vector<1024x1024xf32>
    %sub3A = arith.subf %add3A_6, %mul3A_9 : vector<1024x1024xf32>
    %max3A = arith.constant 0.000000e+00 : f32
    %max3A_10 = vector.broadcast %max3A : f32 to vector<1024x1024xf32>
    %max3A_11 = arith.maximumf %sub3A, %max3A_10 : vector<1024x1024xf32>
    %iota3A = tpu.iota {dimensions = array<i32: 0>} : vector<1024x1024xi32>
    %iota3A_12 = tpu.iota {dimensions = array<i32: 1>} : vector<1024x1024xi32>
    %gt3A = arith.cmpi sgt, %iota3A_12, %iota3A : vector<1024x1024xi32>
    %jit3A = arith.constant 1.000000e+00 : f32
    %broadcast_in_dim3A_13 = vector.broadcast %jit3A : f32 to vector<1024x1024xf32>
    %select_n3A = arith.select %gt3A, %max3A_11, %broadcast_in_dim3A_13 : vector<1024x1024xi1>, vector<1024x1024xf32>
    %sqrt3A = math.sqrt %select_n3A : vector<1024x1024xf32>
    %jit3A_14 = arith.constant 0.000000e+00 : f32
    %broadcast_in_dim3A_15 = vector.broadcast %jit3A_14 : f32 to vector<1024x1024xf32>
    %select_n3A_16 = arith.select %gt3A, %sqrt3A, %broadcast_in_dim3A_15 : vector<1024x1024xi1>, vector<1024x1024xf32>
    %reduce_sum3A_17 = vector.shape_cast %select_n3A_16 : vector<1024x1024xf32> to vector<1x1024x1024xf32>
    %reduce_sum3A_18 = arith.constant dense<0.000000e+00> : vector<1xf32>
    %reduce_sum3A_19 = vector.multi_reduction <add>, %reduce_sum3A_17, %reduce_sum3A_18 [1, 2] : vector<1x1024x1024xf32> to vector<1xf32>
    %reduce_sum3A_20 = vector.shape_cast %reduce_sum3A_19 : vector<1xf32> to vector<1x1x1xf32>
    %reduce_sum3A_21 = vector.extract %reduce_sum3A_20[0, 0, 0] : f32 from vector<1x1x1xf32>
    %div3A = arith.constant 5.237760e+05 : f32
    %div3A_22 = arith.divf %reduce_sum3A_21, %div3A : f32
    %mul3A_23 = arith.constant 2.000000e+00 : f32
    %mul3A_24 = arith.mulf %mul3A_23, %div3A_22 : f32
    %reshape3A = vector.broadcast %mul3A_24 : f32 to vector<1x1xf32>
    %swap3A = arith.constant 0 : index
    %swap3A_25 = arith.constant 0 : index
    %swap3A_26 = vector.load %arg4[%swap3A, %swap3A_25] : memref<1x1xf32, #tpu.memory_space<vmem>>, vector<1x1xf32>
    tpu.vector_store %arg4[%swap3A, %swap3A_25], %reshape3A {strides = array<i32>} : memref<1x1xf32, #tpu.memory_space<vmem>>, vector<1x1xf32>,
    %get3A_27 = arith.constant 0 : index
    %get3A_28 = arith.constant 0 : index
    %get3A_29 = vector.load %arg1[%get3A_27, %get3A_28] : memref<2x1024xf32, #tpu.memory_space<vmem>>, vector<2x1024xf32>
    %reduce_sum3A_30 = arith.constant dense<0.000000e+00> : vector<1024xf32>
    %reduce_sum3A_31 = vector.multi_reduction <add>, %get3A_29, %reduce_sum3A_30 [0] : vector<2x1024xf32> to vector<1024xf32>
    %broadcast_in_dim3A_32 = vector.shape_cast %reduce_sum3A_31 : vector<1024xf32> to vector<1x1024xf32>
    %sub3A_33 = arith.constant 1.800000e+01 : f32
    %sub3A_34 = vector.broadcast %sub3A_33 : f32 to vector<1x1024xf32>
    %sub3A_35 = arith.subf %broadcast_in_dim3A_32, %sub3A_34 : vector<1x1024xf32>
    %abs3A = math.absf %sub3A_35 : vector<1x1024xf32>
    %reduce_sum3A_36 = vector.shape_cast %abs3A : vector<1x1024xf32> to vector<1x1x1024xf32>
    %reduce_sum3A_37 = arith.constant dense<0.000000e+00> : vector<1xf32>
    %reduce_sum3A_38 = vector.multi_reduction <add>, %reduce_sum3A_36, %reduce_sum3A_37 [1, 2] : vector<1x1x1024xf32> to vector<1xf32>
    %reduce_sum3A_39 = vector.shape_cast %reduce_sum3A_38 : vector<1xf32> to vector<1x1x1xf32>
    %reduce_sum3A_40 = vector.extract %reduce_sum3A_39[0, 0, 0] : f32 from vector<1x1x1xf32>
    %div3A_41 = arith.constant 1.024000e+03 : f32
    %div3A_42 = arith.divf %reduce_sum3A_40, %div3A_41 : f32
    %reshape3A_43 = vector.broadcast %div3A_42 : f32 to vector<1x1xf32>
    %swap3A_44 = arith.constant 0 : index
    %swap3A_45 = arith.constant 0 : index
    %swap3A_46 = vector.load %arg5[%swap3A_44, %swap3A_45] : memref<1x1xf32, #tpu.memory_space<vmem>>, vector<1x1xf32>
    tpu.vector_store %arg5[%swap3A_44, %swap3A_45], %reshape3A_43 {strides = array<i32>} : memref<1x1xf32, #tpu.memory_space<vmem>>, vector<1x1xf32>,
    %get3A_47 = arith.constant 0 : index
    %get3A_48 = arith.constant 0 : index
    %get3A_49 = vector.load %arg2[%get3A_47, %get3A_48] : memref<1x1xf32, #tpu.memory_space<vmem>>, vector<1x1xf32>
    %get3A_50 = vector.extract %get3A_49[0, 0] : f32 from vector<1x1xf32>
    %get3A_51 = arith.constant 0 : index
    %get3A_52 = arith.constant 0 : index
    %get3A_53 = vector.load %arg3[%get3A_51, %get3A_52] : memref<1x1xf32, #tpu.memory_space<vmem>>, vector<1x1xf32>
    %get3A_54 = vector.extract %get3A_53[0, 0] : f32 from vector<1x1xf32>
    %add3A_55 = arith.addf %get3A_50, %get3A_54 : f32
    %mul3A_56 = arith.constant 1.05963818E-6 : f32
    %mul3A_57 = arith.mulf %add3A_55, %mul3A_56 : f32
    %reshape3A_58 = vector.broadcast %mul3A_57 : f32 to vector<1x1xf32>
    %swap3A_59 = arith.constant 0 : index
    %swap3A_60 = arith.constant 0 : index
    %swap3A_61 = vector.load %arg6[%swap3A_59, %swap3A_60] : memref<1x1xf32, #tpu.memory_space<vmem>>, vector<1x1xf32>
    tpu.vector_store %arg6[%swap3A_59, %swap3A_60], %reshape3A_58 {strides = array<i32>} : memref<1x1xf32, #tpu.memory_space<vmem>>, vector<1x1xf32>,
    return
  }
}

</mosaic_0001>

<sc_bundles>
// kernel: kernel.10.cloned.1.call-start
scs
__scs_entry_jumppad:
0x0: {  	(pc) =	sbr.rel $0x88, $3  }
0x1: {  	(tag) =	ssettag $0x0;
	lr =	simm.s32 $0x1  }
0x2: {  	[smem:$0x3F9F] =	sst lr;
	_ =	strace $0xD0000000  }
0x3: {  	_ = 	snop  }
0x4: {  	_ = 	snop  }
0x5: {  	_ = 	snop  }
0x6: {  	_ = 	snop  }
0x7: {  	_ = 	snop  }
__scs_overlays_trampoline_lowered:
0x8: {  	[smem:$0x3FAE] =	sst s0  }
0x9: {  	[smem:$0x3FAF] =	sst s1  }
0xa: {  	[smem:$0x3FB0] =	sst s2  }
0xb: {  	[smem:$0x3FB1] =	sst s3  }
0xc: {  	[smem:$0x3FB2] =	sst s4  }
0xd: {  	[smem:$0x3FB3] =	sst s5  }
0xe: {  	[smem:$0x3FB4] =	sst s6  }
0xf: {  	[smem:$0x3FB5] =	sst s7  }
0x10: {  	[smem:$0x3FB6] =	sst s8  }
0x11: {  	[smem:$0x3FB7] =	sst s9;
	s0 =	simm.s32 @!p0 $0x0  }
0x12: {  	s1 =	sld [smem:$0x3F9D];
	s0 =	simm.s32 @p0 $0x1  }
0x13: {  	[smem:$0x3FB8] =	sst s0;
	s0 =	simm.s32 @!p1 $0x0  }
0x14: {  	s2 =	sld [smem:$0x3F9C];
	s0 =	simm.s32 @p1 $0x1  }
0x15: {  	[smem:$0x3FB9] =	sst s0;
	s0 =	simm.s32 @!p2 $0x0  }
0x16: {  	s3 =	sld [smem:$0x3FDB];
	s0 =	simm.s32 @p2 $0x1  }
0x17: {  	s4 =	simm.s32 $0x1BF5;
	[smem:$0x3FBB] =	sst s0  }
0x18: {  	s0 =	sld [smem:$0x3F9E];
	_ =	swait.ge [sflag:s4], $0x0  }
0x19: {  	s7 =	sld [smem:$0x3F9F]  }
0x1a: {  	s8 =	sadd.s32 $0xFFFFE003, lr  }
0x1b: {  	s9 =	sadd.s32 $0xFFFFFEF7, lr;
	s5 =	simm.s32 $0xFFFFFFFF;
	p2 =	slt.u32 s8, $0xFFFFF086  }
0x1c: {  	p1 =	slt.u32 s9, $0xF7A;
	s5 =	simm.s32 @!p2 $0x0  }
0x1d: {  	s5 =	simm.s32 @p1 $0x1;
	p0 =	seq.s32 s7, s2  }
0x1e: {  	s7 =	smul.u32 @!p0 $0xF7A, s2;
	p2 =	seq.s32 @!p0 s5, $0x0  }
0x1f: {  	s9 =	smul.u32 $0xF7A, s1;
	s8 =	simm.s32 @!p0 $0x1BF5;
	p2 =	por !p2, p0  }
0x20: {  	[sflag:s8] =	ssyncset.s32 @!p0 $0xFFFFF086;
	s6 =	sadd.s32 @!p0 s3, s7;
	s7 =	simm.s32 @!p0 $0x108  }
0x21: {  	s3 =	sadd.s32 s3, s9;
	s6 =	sadd.s32 @!p0 $0x88, s6;
	s7 =	simm.s32 @p2 $0x1082  }
0x22: {  	[simem:s7], [sflag:s8] =	dma.local @!p0 [hbm:s6], $0xF7A  }
0x23: {  	s9 =	sor.u32 $0xD0000000, s2;
	s6 =	simm.s32 $0x108;
	_ =	swait.ge @!p0 [sflag:s8], $0x0  }
0x24: {  	s3 =	sadd.s32 $0x88, s3;
	s6 =	simm.s32 @!p1 $0x1082;
	[sflag:s4] =	ssyncset.s32 $0xFFFFF086  }
0x25: {  	[simem:s6], [sflag:s4] =	dma.local [hbm:s3], $0xF7A  }
0x26: {  	[smem:$0x3F9F] =	sst s1;
	(tag) =	ssettag s2;
	_ =	strace s9  }
0x27: {  	s1 =	sld [smem:$0x3FAF]  }
0x28: {  	s2 =	sld [smem:$0x3FB0]  }
0x29: {  	s4 =	sld [smem:$0x3FB2]  }
0x2a: {  	p0 =	seq.s32 s5, $0x0;
	s5 =	sld [smem:$0x3FB3]  }
0x2b: {  	s6 =	sld [smem:$0x3FB4]  }
0x2c: {  	s7 =	sld [smem:$0x3FB5]  }
0x2d: {  	s3 =	simm.s32 $0x108;
	s8 =	sld [smem:$0x3FB6]  }
0x2e: {  	s3 =	simm.s32 @!p0 $0x1082;
	s9 =	sld [smem:$0x3FB7]  }
0x2f: {  	lr =	sadd.s32 s0, s3;
	s0 =	sld [smem:$0x3FAE]  }
0x30: {  	s3 =	sld [smem:$0x3FB1]  }
0x31: {  	[smem:$0x3FBA] =	sst s10  }
0x32: {  	s10 =	sld [smem:$0x3FB8];
	_ =	sdelay $0x3  }
0x33: {  	p0 =	seq.s32 s10, $0x1;
	s10 =	sld [smem:$0x3FBA];
	_ =	sdelay $0x3  }
0x34: {  	[smem:$0x3FBA] =	sst s10  }
0x35: {  	s10 =	sld [smem:$0x3FB9];
	_ =	sdelay $0x3  }
0x36: {  	p1 =	seq.s32 s10, $0x1;
	s10 =	sld [smem:$0x3FBA];
	_ =	sdelay $0x3  }
0x37: {  	[smem:$0x3FBA] =	sst s10  }
0x38: {  	s10 =	sld [smem:$0x3FBB]  }
0x39: {  	_ = 	snop;
	(pc) =	sbr.ind lr, $3  }
0x3a: {  	_ = 	snop  }
0x3b: {  	_ = 	snop  }
0x3c: {  	p2 =	seq.s32 s10, $0x1;
	s10 =	sld [smem:$0x3FBA]  }
0x3d: {  	_ =	shalt  }
0x3e: {  	_ =	shalt  }
0x3f: {  	_ =	shalt  }
0x40: {  	_ =	shalt  }
0x41: {  	_ =	shalt  }
0x42: {  	_ =	shalt  }
0x43: {  	_ =	shalt  }
0x44: {  	_ =	shalt  }
0x45: {  	_ =	shalt  }
0x46: {  	_ =	shalt  }
0x47: {  	_ =	shalt  }
0x48: {  	_ =	shalt  }
0x49: {  	_ =	shalt  }
0x4a: {  	_ =	shalt  }
0x4b: {  	_ =	shalt  }
0x4c: {  	_ =	shalt  }
0x4d: {  	_ =	shalt  }
0x4e: {  	_ =	shalt  }
0x4f: {  	_ =	shalt  }
0x50: {  	_ =	shalt  }
0x51: {  	_ =	shalt  }
0x52: {  	_ =	shalt  }
0x53: {  	_ =	shalt  }
0x54: {  	_ =	shalt  }
0x55: {  	_ =	shalt  }
0x56: {  	_ =	shalt  }
0x57: {  	_ =	shalt  }
0x58: {  	_ =	shalt  }
0x59: {  	_ =	shalt  }
0x5a: {  	_ =	shalt  }
0x5b: {  	_ =	shalt  }
0x5c: {  	_ =	shalt  }
0x5d: {  	_ =	shalt  }
0x5e: {  	_ =	shalt  }
0x5f: {  	_ =	shalt  }
0x60: {  	_ =	shalt  }
0x61: {  	_ =	shalt  }
0x62: {  	_ =	shalt  }
0x63: {  	_ =	shalt  }
0x64: {  	_ =	shalt  }
0x65: {  	_ =	shalt  }
0x66: {  	_ =	shalt  }
0x67: {  	_ =	shalt  }
0x68: {  	_ =	shalt  }
0x69: {  	_ =	shalt  }
0x6a: {  	_ =	shalt  }
0x6b: {  	_ =	shalt  }
0x6c: {  	_ =	shalt  }
0x6d: {  	_ =	shalt  }
0x6e: {  	_ =	shalt  }
0x6f: {  	_ =	shalt  }
0x70: {  	_ =	shalt  }
0x71: {  	_ =	shalt  }
0x72: {  	_ =	shalt  }
0x73: {  	_ =	shalt  }
0x74: {  	_ =	shalt  }
0x75: {  	_ =	shalt  }
0x76: {  	_ =	shalt  }
0x77: {  	_ =	shalt  }
0x78: {  	_ =	shalt  }
0x79: {  	_ =	shalt  }
0x7a: {  	_ =	shalt  }
0x7b: {  	_ =	shalt  }
0x7c: {  	_ =	shalt  }
0x7d: {  	_ =	shalt  }
0x7e: {  	_ =	shalt  }
0x7f: {  	_ =	shalt  }
0x80: {  	_ =	shalt  }
0x81: {  	_ =	shalt  }
0x82: {  	_ =	shalt  }
0x83: {  	_ =	shalt  }
0x84: {  	_ =	shalt  }
0x85: {  	_ =	shalt  }
0x86: {  	_ =	shalt  }
0x87: {  	_ =	shalt  }
.Lfunc_end0:
.L_simem_size_0:
called_computation.1_lowered:
.L_overlay_start_0:
0x88: {  	s2 =	sld [smem:$0x3FD9]  }
0x89: {  	s3 =	sld [smem:$0x3FFE];
	_ =	sdelay $0x1  }
0x8a: {  	s1 =	srdreg.scid  }
0x8b: {  	s0 =	sand.u32 $0x1, s1  }
0x8c: {  	s15 =	sshll.u32 s0, $0xA;
	s2 =	sadd.s32 s3, s2  }
0x8d: {  	s2 =	sadd.s32 s2, s15  }
0x8e: {  	[smem:$0x3FC6] =	sst s2  }
0x8f: {  	_ = 	snop  }
0x90: {  	s2 =	sld [smem:$0x3FD0];
	_ =	sdelay $0x2  }
0x91: {  	s16 =	simm.s32 $0xB;
	s4 =	simm.s32 $0x10  }
0x92: {  	[smem:s4], [sflag:s16] =	dma.local [hbm:s2], $0x1  }
0x93: {  	_ =	swait.eq [sflag:s16], $0x1  }
0x94: {  	[sflag:s16] =	ssyncset.done $0x0  }
0x95: {  	[sflag:s16] =	ssyncadd.s32 $0xFFFFFFFF  }
0x96: {  	s17 =	sld [smem:$0x10];
	(tm) =	ssettm $0x1  }
0x97: {  	s18 =	sld [smem:$0x3FFB];
	_ =	sdelay $0x3  }
0x98: {  	_ =	strace s18  }
0x99: {  	s2 =	sld [smem:$0x3FFC];
	_ =	sdelay $0x3  }
0x9a: {  	_ =	strace s2  }
0x9b: {  	s2 =	sld [smem:$0x3FFD];
	_ =	sdelay $0x3  }
0x9c: {  	_ =	strace s2  }
0x9d: {  	_ =	strace $0x8FFFFFFF  }
0x9e: {  	s19 =	sld [smem:$0x3FDB];
	_ =	sdelay $0x1  }
0x9f: {  	s20 =	simm.s32 $_scs_section_size  }
0xa0: {  	s5 =	simm.s32 $_size__tile_overlayer_lowered;
	s6 =	simm.s32 $_tile_overlayer_lowered  }
0xa1: {  	s7 =	simm.s32 $0x1BFF;
	s21 =	sshll.u32 s6, $0x1;
	s4 =	sadd.s32 s20, s19  }
0xa2: {  	s22 =	simm.s32 $0x0;
	s5 =	sshll.u32 s5, $0x1;
	s6 =	sadd.s32 s21, s4  }
0xa3: {  	[timem:s22], [sflag:s7] =	dma.local [hbm:s6], s5  }
0xa4: {  	_ =	swait.ge [sflag:s7], s5  }
0xa5: {  	s5 =	ssub.s32 $0x0, s5;
	[sflag:s7] =	ssyncset.done $0x0  }
0xa6: {  	[sflag:s7] =	ssyncadd.s32 s5;
	_ =	sdelay $0x1  }
0xa7: {  	s23 =	simm.s32 $0x1B8B  }
0xa8: {  	_ =	swait.ge [sflag:s23], $0x1  }
0xa9: {  	[sflag:s23] =	ssyncset.done $0x0  }
0xaa: {  	[sflag:s23] =	ssyncadd.s32 $0xFFFFFFFF  }
0xab: {  	s5 =	sld [smem:$0x0]  }
0xac: {  	s6 =	sand.u32 $0xFFFFFFFE, s1  }
0xad: {  	p0 =	sne.s32 s1, s6  }
0xae: {  	s6 =	sshll.u32 @p0 s6, $0xE  }
0xaf: {  	s6 =	sadd.s32 @p0 $0x11B8D, s6;
	s7 =	sshll.u32 @p0 s5, $0x11  }
0xb0: {  	s6 =	sor.u32 @p0 s7, s6  }
0xb1: {  	[sflag:s6] =	ssyncadd.remote.s32 @p0 $0x1;
	_ =	sdelay $0x1  }
0xb2: {  	s6 =	simm.s32 @p0 $0x1B8D  }
0xb3: {  	_ =	swait.eq @p0 [sflag:s6], $0x1  }
0xb4: {  	[sflag:s6] =	ssyncadd.s32 @p0 $0xFFFFFFFF  }
0xb5: {  	s7 =	sshll.u32 @!p0 s1, $0xE  }
0xb6: {  	s7 =	sor.u32 @!p0 $0x4000, s7;
	s6 =	simm.s32 @!p0 $0x1B8D  }
0xb7: {  	s5 =	sshll.u32 @!p0 s5, $0x11;
	s7 =	sadd.s32 @!p0 $0x11B8D, s7;
	_ =	swait.eq @!p0 [sflag:s6], $0x1  }
0xb8: {  	s5 =	sor.u32 @!p0 s5, s7;
	[sflag:s6] =	ssyncadd.s32 @!p0 $0xFFFFFFFF  }
0xb9: {  	s25 =	simm.s32 $0x1B8E;
	s24 =	sld [smem:$0x3FFE];
	[sflag:s5] =	ssyncadd.remote.s32 @!p0 $0x1  }
0xba: {  	s26 =	simm.s32 $execute0_lowered;
	[smem:$0x3FD2] =	sst s25  }
0xbb: {  	s6 =	sshll.u32 s26, $0x1;
	_ =	strace $0x80000049;
	[dreg:$0x1] =	wrdreg $0xFFFFFFFF  }
0xbc: {  	s28 =	simm.s32 $_size_execute0_lowered;
	s4 =	sadd.s32 s4, s6;
	[dreg:$0x0] =	wrdreg $0x0  }
0xbd: {  	s6 =	sshll.u32 s28, $0x1;
	[dreg:$0x2] =	wrdreg s4  }
0xbe: {  	[dreg:$0x3] =	wrdreg s6  }
0xbf: {  	[dreg:$0x4] =	wrdreg $0xC0  }
0xc0: {  	_ =	task [dreg:s22], $0x5FFFF  }
0xc1: {  	[dreg:$0x1] =	wrdreg $0xFFFFFFFF  }
0xc2: {  	[dreg:$0x0] =	wrdreg $0x60  }
0xc3: {  	[dreg:$0x2] =	wrdreg s24  }
0xc4: {  	[dreg:$0x3] =	wrdreg s17  }
0xc5: {  	[dreg:$0x4] =	wrdreg $0xA  }
0xc6: {  	_ =	task.clear_ibuf [dreg:s22], $0x5FFFF;
	_ =	strace $0x90000049  }
0xc7: {  	s29 =	simm.s32 $0xA;
	_ =	strace $0x8000004B  }
0xc8: {  	_ =	swait.ge [sflag:s29], $0x1  }
0xc9: {  	[sflag:s29] =	ssyncadd.s32 $0xFFFFFFFF  }
0xca: {  	_ =	strace $0x9000004B  }
0xcb: {  	_ =	sfence  }
0xcc: {  	s30 =	sld [smem:$0x0];
	_ =	sdelay $0x2  }
0xcd: {  	s31 =	sshll.u32 s1, $0xD;
	s1 =	sshrl.u32 s1, $0x2  }
0xce: {  	s4 =	sand.u32 $0x4000, s31;
	s1 =	sadd.s32 s1, s30  }
0xcf: {  	s0 =	sor.u32 s4, s0;
	s1 =	sshll.u32 s1, $0x11  }
0xd0: {  	s0 =	sor.u32 s1, s0  }
0xd1: {  	s0 =	sadd.s32 $0x8F2B, s0  }
0xd2: {  	[sflag:s0] =	ssyncadd.remote.s32 $0x1  }
0xd3: {  	_ =	sfence.sel $0xFFFF  }
0xd4: {  	[dreg:$0x0] =	wrdreg $0xFFFFFFFF;
	(pc) =	sbr.abs _section_cstart, $3  }
0xd5: {  	[dreg:$0x1] =	wrdreg $0xFFFFFFFF  }
0xd6: {  	_ =	task.clear_ibuf [dreg:s22], $0x2FFFF;
	_ =	strace $0x9FFFFFFF  }
0xd7: {  	(tm) =	ssettm $0x7FFFFFFF  }
tec
execute0_lowered:
.L_overlay_start_1:
0x0: {  	(tag) =	ssettag $0x1  }
0x1: {  	s1 =	srdreg.scid;
	s0 =	stileid.u32  }
0x2: {  	s12 =	sand.u32 $0x1, s1;
	s30 =	sshll.u32 s0, $0x1  }
0x3: {  	s5 =	rddreg [dreg:$0x0];
	s13 =	sor.u32 s12, s30  }
0x4: {  	s14 =	rddreg [dreg:$0x1];
	s3 =	smul.u32 $0x24, s13  }
0x5: {  	s2 =	simm.s32 $0x0;
	s1 =	rddreg [dreg:$0x2]  }
0x6: {  	[smem:$0x7FF] =	sst s2;
	s3 =	sadd.s32 s3, s5  }
0x7: {  	_ =	strace $0x8000004A;
	s4 =	sadd.s32 $0x16000, s3;
	s3 =	simm.s32 $0x2  }
0x8: {  	[tilespmem:s2], [sflag:$0x2] =	stream.linear.gather [hbm4b:s4+s2], $0x120, $0x38;
	[tilespmem:$0x4920] =	vst v63  }
0x9: {  	_ =	swait.ge [sflag:s3], $0x120  }
0xa: {  	s6 =	simm.s32 $0x60;
	[sflag:s3] =	ssyncset.done $0x0  }
0xb: {  	s7 =	simm.s32 $0x120;
	s5 =	sadd.s32 $0x1800, s5;
	[sflag:s3] =	ssyncadd.s32 $0xFFFFFEE0  }
0xc: {  	[tilespmem:s7], [sflag:$0x1] =	stream.indirect.gather [hbm4b:s5+s6], $0x40, s2, s6, $0xb8;
	[tilespmem:$0x4920] =	vst v63  }
0xd: {  	s8 =	simm.s32 $0x1920  }
0xe: {  	[tilespmem:s8], [sflag:$0x1] =	stream.indirect.gather [hbm4b:s5+s6], $0x40, s6, s6, $0xb8;
	[tilespmem:$0x4920] =	vst v63  }
0xf: {  	s9 =	simm.s32 $0xC0;
	s10 =	simm.s32 $0x3120;
	s11 =	simm.s32 $0x1  }
0x10: {  	[tilespmem:s10], [sflag:$0x1] =	stream.indirect.gather [hbm4b:s5+s6], $0x40, s9, s6, $0xb8;
	[tilespmem:$0x4920] =	vst v63  }
0x11: {  	_ =	swait.ge [sflag:s11], $0x1800  }
0x12: {  	[sflag:s11] =	ssyncset.done $0x0  }
0x13: {  	s12 =	ssub.s32 $0x2, s12;
	[sflag:s11] =	ssyncadd.s32 $0xFFFFE800  }
0x14: {  	s15 =	sshrl.u32 s12, $0x1;
	_ =	swait.ge [sflag:s11], $0x1800  }
0x15: {  	s15 =	ssub.s32 s12, s15;
	[sflag:s11] =	ssyncset.done $0x0  }
0x16: {  	s31 =	smax.u32 s15, $0x1;
	[sflag:s11] =	ssyncadd.s32 $0xFFFFE800  }
0x17: {  	s13 =	smul.u32 $0x900, s13;
	p0 =	sne.s32 s31, $0x1;
	_ =	swait.ge [sflag:s11], $0x1800  }
.Ltmp0:
0x18: {  	[sflag:s11] =	ssyncset.done $0x0;
	(pc) =	sbr.rel @!p0 .LBB2_2-.Ltmp0, $4  }
0x19: {  	s12 =	sadd.s32 s14, s13;
	[sflag:s11] =	ssyncadd.s32 $0xFFFFE800  }
0x1a: {  	[hbm4b:s12+s2] =	stream.linear.scatter [tilespmem:s7], [sflag:$0x2], $0x4800, $0x38;
	[tilespmem:$0x4920] =	vst v63  }
0x1b: {  	_ =	swait.ge [sflag:s3], $0x4800  }
0x1c: {  	s13 =	sadd.s32 $0xFFFFFFFF, s31;
	[sflag:s3] =	ssyncset.done $0x0  }
.LBB2_1:
0x1d: {  	p0 =	sne.s32 s13, $0x1;
	s13 =	sadd.s32 $0xFFFFFFFF, s13;
	[sflag:s3] =	ssyncadd.s32 $0xFFFFB800  }
0x1e: {  	[tilespmem:s2], [sflag:$0x2] =	stream.linear.gather [hbm4b:s4+s2], $0x120, $0x38;
	[tilespmem:$0x4920] =	vst v63  }
0x1f: {  	_ =	swait.ge [sflag:s3], $0x120  }
0x20: {  	[sflag:s3] =	ssyncset.done $0x0  }
0x21: {  	[sflag:s3] =	ssyncadd.s32 $0xFFFFFEE0  }
0x22: {  	[tilespmem:s7], [sflag:$0x1] =	stream.indirect.gather [hbm4b:s5+s6], $0x40, s2, s6, $0xb8;
	[tilespmem:$0x4920] =	vst v63  }
0x23: {  	_ = 	snop  }
0x24: {  	[tilespmem:s8], [sflag:$0x1] =	stream.indirect.gather [hbm4b:s5+s6], $0x40, s6, s6, $0xb8;
	[tilespmem:$0x4920] =	vst v63  }
0x25: {  	_ = 	snop  }
0x26: {  	[tilespmem:s10], [sflag:$0x1] =	stream.indirect.gather [hbm4b:s5+s6], $0x40, s9, s6, $0xb8;
	[tilespmem:$0x4920] =	vst v63  }
0x27: {  	_ =	swait.ge [sflag:s11], $0x1800  }
0x28: {  	[sflag:s11] =	ssyncset.done $0x0  }
0x29: {  	[sflag:s11] =	ssyncadd.s32 $0xFFFFE800  }
0x2a: {  	_ =	swait.ge [sflag:s11], $0x1800  }
0x2b: {  	[sflag:s11] =	ssyncset.done $0x0  }
0x2c: {  	[sflag:s11] =	ssyncadd.s32 $0xFFFFE800  }
0x2d: {  	_ =	swait.ge [sflag:s11], $0x1800  }
.Ltmp1:
0x2e: {  	[sflag:s11] =	ssyncset.done $0x0;
	(pc) =	sbr.rel @p0 .LBB2_1-.Ltmp1, $4  }
0x2f: {  	[sflag:s11] =	ssyncadd.s32 $0xFFFFE800  }
0x30: {  	[hbm4b:s12+s2] =	stream.linear.scatter [tilespmem:s7], [sflag:$0x2], $0x4800, $0x38;
	[tilespmem:$0x4920] =	vst v63  }
0x31: {  	_ =	swait.ge [sflag:s3], $0x4800  }
0x32: {  	[sflag:s3] =	ssyncset.done $0x0  }
.LBB2_2:
0x33: {  	[sflag:s3] =	ssyncadd.s32 $0xFFFFB800  }
0x34: {  	_ =	sfence.sel $0x180000  }
0x35: {  	[bflag:$0x0] =	sbarrier.arrive $0xFFFF  }
0x36: {  	p0 =	sne.s32 s0, $0x0;
	_ =	strace $0x9000004A  }
0x37: {  	s0 =	sadd.s32 @!p0 $0x100000, s1;
	[bflag:$0x2] =	sbarrier.arrive $0xFFFF  }
0x38: {  	[sflag:s0] =	ssyncadd.tile.s32 @!p0 $0x1;
	_ =	shalt  }
.Lfunc_end2:
_tile_overlayer_lowered:
.L_overlay_start_2:
0x39: {  	(tag) =	ssettag $0x2  }
0x3a: {  	s0 =	rddreg [dreg:$0x0];
	s2 =	stileid.u32  }
0x3b: {  	s1 =	rddreg [dreg:$0x1];
	p0 =	sne.s32 s2, $0x0  }
0x3c: {  	s3 =	rddreg [dreg:$0x2];
	[bflag:$0x3] =	sbarrier.arrive $0xFFFF;
	s2 =	simm.s32 @!p0 $0x1C02  }
0x3d: {  	[timem:s3], [sflag:s2] =	dma.local @!p0 [hbm:s0], s1  }
0x3e: {  	s0 =	simm.s32 @!p0 $0x2  }
0x3f: {  	_ =	swait.ge @!p0 [sflag:s0], s1  }
0x40: {  	s1 =	ssub.s32 @!p0 $0x0, s1;
	[sflag:s0] =	ssyncset.done @!p0 $0x0  }
0x41: {  	[sflag:s0] =	ssyncadd.s32 @!p0 s1  }
0x42: {  	[bflag:$0x3] =	sbarrier.arrive $0xFFFF  }
0x43: {  	_ =	shalt  }

// kernel: kernel.7.cloned.1.call-start
scs
__scs_entry_jumppad:
0x0: {  	(pc) =	sbr.rel $0x88, $3  }
0x1: {  	(tag) =	ssettag $0x0;
	lr =	simm.s32 $0x1  }
0x2: {  	[smem:$0x3F9F] =	sst lr;
	_ =	strace $0xD0000000  }
0x3: {  	_ = 	snop  }
0x4: {  	_ = 	snop  }
0x5: {  	_ = 	snop  }
0x6: {  	_ = 	snop  }
0x7: {  	_ = 	snop  }
__scs_overlays_trampoline_lowered:
0x8: {  	[smem:$0x3FAE] =	sst s0  }
0x9: {  	[smem:$0x3FAF] =	sst s1  }
0xa: {  	[smem:$0x3FB0] =	sst s2  }
0xb: {  	[smem:$0x3FB1] =	sst s3  }
0xc: {  	[smem:$0x3FB2] =	sst s4  }
0xd: {  	[smem:$0x3FB3] =	sst s5  }
0xe: {  	[smem:$0x3FB4] =	sst s6  }
0xf: {  	[smem:$0x3FB5] =	sst s7  }
0x10: {  	[smem:$0x3FB6] =	sst s8  }
0x11: {  	[smem:$0x3FB7] =	sst s9;
	s0 =	simm.s32 @!p0 $0x0  }
0x12: {  	s1 =	sld [smem:$0x3F9D];
	s0 =	simm.s32 @p0 $0x1  }
0x13: {  	[smem:$0x3FB8] =	sst s0;
	s0 =	simm.s32 @!p1 $0x0  }
0x14: {  	s2 =	sld [smem:$0x3F9C];
	s0 =	simm.s32 @p1 $0x1  }
0x15: {  	[smem:$0x3FB9] =	sst s0;
	s0 =	simm.s32 @!p2 $0x0  }
0x16: {  	s3 =	sld [smem:$0x3FDB];
	s0 =	simm.s32 @p2 $0x1  }
0x17: {  	s4 =	simm.s32 $0x1BF5;
	[smem:$0x3FBB] =	sst s0  }
0x18: {  	s0 =	sld [smem:$0x3F9E];
	_ =	swait.ge [sflag:s4], $0x0  }
0x19: {  	s7 =	sld [smem:$0x3F9F]  }
0x1a: {  	s8 =	sadd.s32 $0xFFFFE003, lr  }
0x1b: {  	s9 =	sadd.s32 $0xFFFFFEF7, lr;
	s5 =	simm.s32 $0xFFFFFFFF;
	p2 =	slt.u32 s8, $0xFFFFF086  }
0x1c: {  	p1 =	slt.u32 s9, $0xF7A;
	s5 =	simm.s32 @!p2 $0x0  }
0x1d: {  	s5 =	simm.s32 @p1 $0x1;
	p0 =	seq.s32 s7, s2  }
0x1e: {  	s7 =	smul.u32 @!p0 $0xF7A, s2;
	p2 =	seq.s32 @!p0 s5, $0x0  }
0x1f: {  	s9 =	smul.u32 $0xF7A, s1;
	s8 =	simm.s32 @!p0 $0x1BF5;
	p2 =	por !p2, p0  }
0x20: {  	[sflag:s8] =	ssyncset.s32 @!p0 $0xFFFFF086;
	s6 =	sadd.s32 @!p0 s3, s7;
	s7 =	simm.s32 @!p0 $0x108  }
0x21: {  	s3 =	sadd.s32 s3, s9;
	s6 =	sadd.s32 @!p0 $0x88, s6;
	s7 =	simm.s32 @p2 $0x1082  }
0x22: {  	[simem:s7], [sflag:s8] =	dma.local @!p0 [hbm:s6], $0xF7A  }
0x23: {  	s9 =	sor.u32 $0xD0000000, s2;
	s6 =	simm.s32 $0x108;
	_ =	swait.ge @!p0 [sflag:s8], $0x0  }
0x24: {  	s3 =	sadd.s32 $0x88, s3;
	s6 =	simm.s32 @!p1 $0x1082;
	[sflag:s4] =	ssyncset.s32 $0xFFFFF086  }
0x25: {  	[simem:s6], [sflag:s4] =	dma.local [hbm:s3], $0xF7A  }
0x26: {  	[smem:$0x3F9F] =	sst s1;
	(tag) =	ssettag s2;
	_ =	strace s9  }
0x27: {  	s1 =	sld [smem:$0x3FAF]  }
0x28: {  	s2 =	sld [smem:$0x3FB0]  }
0x29: {  	s4 =	sld [smem:$0x3FB2]  }
0x2a: {  	p0 =	seq.s32 s5, $0x0;
	s5 =	sld [smem:$0x3FB3]  }
0x2b: {  	s6 =	sld [smem:$0x3FB4]  }
0x2c: {  	s7 =	sld [smem:$0x3FB5]  }
0x2d: {  	s3 =	simm.s32 $0x108;
	s8 =	sld [smem:$0x3FB6]  }
0x2e: {  	s3 =	simm.s32 @!p0 $0x1082;
	s9 =	sld [smem:$0x3FB7]  }
0x2f: {  	lr =	sadd.s32 s0, s3;
	s0 =	sld [smem:$0x3FAE]  }
0x30: {  	s3 =	sld [smem:$0x3FB1]  }
0x31: {  	[smem:$0x3FBA] =	sst s10  }
0x32: {  	s10 =	sld [smem:$0x3FB8];
	_ =	sdelay $0x3  }
0x33: {  	p0 =	seq.s32 s10, $0x1;
	s10 =	sld [smem:$0x3FBA];
	_ =	sdelay $0x3  }
0x34: {  	[smem:$0x3FBA] =	sst s10  }
0x35: {  	s10 =	sld [smem:$0x3FB9];
	_ =	sdelay $0x3  }
0x36: {  	p1 =	seq.s32 s10, $0x1;
	s10 =	sld [smem:$0x3FBA];
	_ =	sdelay $0x3  }
0x37: {  	[smem:$0x3FBA] =	sst s10  }
0x38: {  	s10 =	sld [smem:$0x3FBB]  }
0x39: {  	_ = 	snop;
	(pc) =	sbr.ind lr, $3  }
0x3a: {  	_ = 	snop  }
0x3b: {  	_ = 	snop  }
0x3c: {  	p2 =	seq.s32 s10, $0x1;
	s10 =	sld [smem:$0x3FBA]  }
0x3d: {  	_ =	shalt  }
0x3e: {  	_ =	shalt  }
0x3f: {  	_ =	shalt  }
0x40: {  	_ =	shalt  }
0x41: {  	_ =	shalt  }
0x42: {  	_ =	shalt  }
0x43: {  	_ =	shalt  }
0x44: {  	_ =	shalt  }
0x45: {  	_ =	shalt  }
0x46: {  	_ =	shalt  }
0x47: {  	_ =	shalt  }
0x48: {  	_ =	shalt  }
0x49: {  	_ =	shalt  }
0x4a: {  	_ =	shalt  }
0x4b: {  	_ =	shalt  }
0x4c: {  	_ =	shalt  }
0x4d: {  	_ =	shalt  }
0x4e: {  	_ =	shalt  }
0x4f: {  	_ =	shalt  }
0x50: {  	_ =	shalt  }
0x51: {  	_ =	shalt  }
0x52: {  	_ =	shalt  }
0x53: {  	_ =	shalt  }
0x54: {  	_ =	shalt  }
0x55: {  	_ =	shalt  }
0x56: {  	_ =	shalt  }
0x57: {  	_ =	shalt  }
0x58: {  	_ =	shalt  }
0x59: {  	_ =	shalt  }
0x5a: {  	_ =	shalt  }
0x5b: {  	_ =	shalt  }
0x5c: {  	_ =	shalt  }
0x5d: {  	_ =	shalt  }
0x5e: {  	_ =	shalt  }
0x5f: {  	_ =	shalt  }
0x60: {  	_ =	shalt  }
0x61: {  	_ =	shalt  }
0x62: {  	_ =	shalt  }
0x63: {  	_ =	shalt  }
0x64: {  	_ =	shalt  }
0x65: {  	_ =	shalt  }
0x66: {  	_ =	shalt  }
0x67: {  	_ =	shalt  }
0x68: {  	_ =	shalt  }
0x69: {  	_ =	shalt  }
0x6a: {  	_ =	shalt  }
0x6b: {  	_ =	shalt  }
0x6c: {  	_ =	shalt  }
0x6d: {  	_ =	shalt  }
0x6e: {  	_ =	shalt  }
0x6f: {  	_ =	shalt  }
0x70: {  	_ =	shalt  }
0x71: {  	_ =	shalt  }
0x72: {  	_ =	shalt  }
0x73: {  	_ =	shalt  }
0x74: {  	_ =	shalt  }
0x75: {  	_ =	shalt  }
0x76: {  	_ =	shalt  }
0x77: {  	_ =	shalt  }
0x78: {  	_ =	shalt  }
0x79: {  	_ =	shalt  }
0x7a: {  	_ =	shalt  }
0x7b: {  	_ =	shalt  }
0x7c: {  	_ =	shalt  }
0x7d: {  	_ =	shalt  }
0x7e: {  	_ =	shalt  }
0x7f: {  	_ =	shalt  }
0x80: {  	_ =	shalt  }
0x81: {  	_ =	shalt  }
0x82: {  	_ =	shalt  }
0x83: {  	_ =	shalt  }
0x84: {  	_ =	shalt  }
0x85: {  	_ =	shalt  }
0x86: {  	_ =	shalt  }
0x87: {  	_ =	shalt  }
.Lfunc_end0:
.L_simem_size_0:
called_computation_lowered:
.L_overlay_start_0:
0x88: {  	s2 =	sld [smem:$0x3FD9]  }
0x89: {  	s3 =	sld [smem:$0x3FFE];
	_ =	sdelay $0x1  }
0x8a: {  	s1 =	srdreg.scid  }
0x8b: {  	s0 =	sand.u32 $0x1, s1  }
0x8c: {  	s16 =	sshll.u32 s0, $0xA;
	s2 =	sadd.s32 s3, s2  }
0x8d: {  	s2 =	sadd.s32 s2, s16  }
0x8e: {  	[smem:$0x3FC6] =	sst s2  }
0x8f: {  	_ = 	snop  }
0x90: {  	(tm) =	ssettm $0x1  }
0x91: {  	s17 =	sld [smem:$0x3FFB];
	_ =	sdelay $0x3  }
0x92: {  	_ =	strace s17  }
0x93: {  	s2 =	sld [smem:$0x3FFC];
	_ =	sdelay $0x3  }
0x94: {  	_ =	strace s2  }
0x95: {  	s2 =	sld [smem:$0x3FFD];
	_ =	sdelay $0x3  }
0x96: {  	_ =	strace s2  }
0x97: {  	_ =	strace $0x8FFFFFFF  }
0x98: {  	s18 =	sld [smem:$0x3FDB];
	_ =	sdelay $0x1  }
0x99: {  	s19 =	simm.s32 $_scs_section_size  }
0x9a: {  	s4 =	simm.s32 $_size__tile_overlayer_lowered;
	s5 =	simm.s32 $_tile_overlayer_lowered  }
0x9b: {  	s22 =	simm.s32 $0x1BFF;
	s21 =	sshll.u32 s5, $0x1;
	s2 =	sadd.s32 s19, s18  }
0x9c: {  	s6 =	simm.s32 $0x0;
	s20 =	sshll.u32 s4, $0x1;
	s4 =	sadd.s32 s21, s2  }
0x9d: {  	[timem:s6], [sflag:s22] =	dma.local [hbm:s4], s20  }
0x9e: {  	_ =	swait.ge [sflag:s22], s20  }
0x9f: {  	s3 =	ssub.s32 $0x0, s20;
	[sflag:s22] =	ssyncset.done $0x0  }
0xa0: {  	[sflag:s22] =	ssyncadd.s32 s3;
	_ =	sdelay $0x1  }
0xa1: {  	s23 =	simm.s32 $0x1B8B  }
0xa2: {  	_ =	swait.ge [sflag:s23], $0x1  }
0xa3: {  	[sflag:s23] =	ssyncset.done $0x0  }
0xa4: {  	s25 =	simm.s32 $0x1B8E;
	s24 =	sld [smem:$0x3FFE];
	[sflag:s23] =	ssyncadd.s32 $0xFFFFFFFF  }
0xa5: {  	s26 =	simm.s32 $execute0_lowered;
	[smem:$0x3FD2] =	sst s25  }
0xa6: {  	s4 =	sshll.u32 s26, $0x1;
	_ =	strace $0x80000046;
	[dreg:$0x1] =	wrdreg $0xFFFFFFFF  }
0xa7: {  	s28 =	simm.s32 $_size_execute0_lowered;
	s2 =	sadd.s32 s2, s4;
	[dreg:$0x0] =	wrdreg $0x0  }
0xa8: {  	s4 =	sshll.u32 s28, $0x1;
	[dreg:$0x2] =	wrdreg s2  }
0xa9: {  	[dreg:$0x3] =	wrdreg s4  }
0xaa: {  	[dreg:$0x4] =	wrdreg $0xC0  }
0xab: {  	_ =	task [dreg:s6], $0x5FFFF  }
0xac: {  	[dreg:$0x1] =	wrdreg $0xFFFFFFFF  }
0xad: {  	[dreg:$0x0] =	wrdreg $0x60  }
0xae: {  	[dreg:$0x2] =	wrdreg s24  }
0xaf: {  	[dreg:$0x3] =	wrdreg $0x9  }
0xb0: {  	_ =	task.clear_ibuf [dreg:s6], $0x4FFFF;
	_ =	strace $0x90000046  }
0xb1: {  	s29 =	simm.s32 $0x9;
	_ =	strace $0x80000048  }
0xb2: {  	_ =	swait.ge [sflag:s29], $0x1  }
0xb3: {  	[sflag:s29] =	ssyncadd.s32 $0xFFFFFFFF  }
0xb4: {  	_ =	strace $0x90000048  }
0xb5: {  	_ =	sfence  }
0xb6: {  	s30 =	sld [smem:$0x0];
	_ =	sdelay $0x2  }
0xb7: {  	s31 =	sshll.u32 s1, $0xD;
	s1 =	sshrl.u32 s1, $0x2  }
0xb8: {  	s3 =	sand.u32 $0x4000, s31;
	s1 =	sadd.s32 s1, s30  }
0xb9: {  	s0 =	sor.u32 s3, s0;
	s1 =	sshll.u32 s1, $0x11  }
0xba: {  	s0 =	sor.u32 s1, s0  }
0xbb: {  	s0 =	sadd.s32 $0x8F2B, s0  }
0xbc: {  	[sflag:s0] =	ssyncadd.remote.s32 $0x1  }
0xbd: {  	_ =	sfence.sel $0xFFFF  }
0xbe: {  	[dreg:$0x0] =	wrdreg $0xFFFFFFFF;
	(pc) =	sbr.abs _section_cstart, $3  }
0xbf: {  	[dreg:$0x1] =	wrdreg $0xFFFFFFFF  }
0xc0: {  	_ =	task.clear_ibuf [dreg:s6], $0x2FFFF;
	_ =	strace $0x9FFFFFFF  }
0xc1: {  	(tm) =	ssettm $0x7FFFFFFF  }
tec
execute0_lowered:
.L_overlay_start_1:
0x0: {  	(tag) =	ssettag $0x1  }
0x1: {  	s1 =	srdreg.scid;
	s0 =	stileid.u32  }
0x2: {  	s12 =	sand.u32 $0x1, s1;
	s29 =	sshll.u32 s0, $0x1  }
0x3: {  	s13 =	sor.u32 s12, s29  }
0x4: {  	s14 =	rddreg [dreg:$0x0];
	s3 =	smul.u32 $0x24, s13  }
0x5: {  	s2 =	simm.s32 $0x0;
	s1 =	rddreg [dreg:$0x1]  }
0x6: {  	[smem:$0x7FF] =	sst s2;
	s3 =	sadd.s32 s3, s14  }
0x7: {  	_ =	strace $0x80000047;
	s4 =	sadd.s32 $0x3A00, s3;
	s3 =	simm.s32 $0x2  }
0x8: {  	[tilespmem:s2], [sflag:$0x2] =	stream.linear.gather [hbm4b:s4+s2], $0x120, $0x38;
	[tilespmem:$0x4920] =	vst v63  }
0x9: {  	_ =	swait.ge [sflag:s3], $0x120  }
0xa: {  	s6 =	simm.s32 $0x60;
	[sflag:s3] =	ssyncset.done $0x0  }
0xb: {  	s7 =	simm.s32 $0x120;
	s5 =	sadd.s32 $0x1800, s14;
	[sflag:s3] =	ssyncadd.s32 $0xFFFFFEE0  }
0xc: {  	[tilespmem:s7], [sflag:$0x1] =	stream.indirect.gather [hbm4b:s5+s6], $0x40, s2, s6, $0xb8;
	[tilespmem:$0x4920] =	vst v63  }
0xd: {  	s8 =	simm.s32 $0x1920  }
0xe: {  	[tilespmem:s8], [sflag:$0x1] =	stream.indirect.gather [hbm4b:s5+s6], $0x40, s6, s6, $0xb8;
	[tilespmem:$0x4920] =	vst v63  }
0xf: {  	s9 =	simm.s32 $0xC0;
	s10 =	simm.s32 $0x3120;
	s11 =	simm.s32 $0x1  }
0x10: {  	[tilespmem:s10], [sflag:$0x1] =	stream.indirect.gather [hbm4b:s5+s6], $0x40, s9, s6, $0xb8;
	[tilespmem:$0x4920] =	vst v63  }
0x11: {  	_ =	swait.ge [sflag:s11], $0x1800  }
0x12: {  	[sflag:s11] =	ssyncset.done $0x0  }
0x13: {  	s12 =	ssub.s32 $0x2, s12;
	[sflag:s11] =	ssyncadd.s32 $0xFFFFE800  }
0x14: {  	s15 =	sshrl.u32 s12, $0x1;
	_ =	swait.ge [sflag:s11], $0x1800  }
0x15: {  	s30 =	ssub.s32 s12, s15;
	[sflag:s11] =	ssyncset.done $0x0  }
0x16: {  	s13 =	smul.u32 $0x900, s13;
	s31 =	smax.u32 s30, $0x1;
	[sflag:s11] =	ssyncadd.s32 $0xFFFFE800  }
0x17: {  	p0 =	sne.s32 s31, $0x1;
	_ =	swait.ge [sflag:s11], $0x1800  }
.Ltmp0:
0x18: {  	s13 =	sadd.s32 s13, s14;
	[sflag:s11] =	ssyncset.done $0x0;
	(pc) =	sbr.rel @!p0 .LBB2_2-.Ltmp0, $4  }
0x19: {  	s12 =	sadd.s32 $0x4000, s13;
	[sflag:s11] =	ssyncadd.s32 $0xFFFFE800  }
0x1a: {  	[hbm4b:s12+s2] =	stream.linear.scatter [tilespmem:s7], [sflag:$0x2], $0x4800, $0x38;
	[tilespmem:$0x4920] =	vst v63  }
0x1b: {  	_ =	swait.ge [sflag:s3], $0x4800  }
0x1c: {  	s13 =	sadd.s32 $0xFFFFFFFF, s31;
	[sflag:s3] =	ssyncset.done $0x0  }
.LBB2_1:
0x1d: {  	p0 =	sne.s32 s13, $0x1;
	s13 =	sadd.s32 $0xFFFFFFFF, s13;
	[sflag:s3] =	ssyncadd.s32 $0xFFFFB800  }
0x1e: {  	[tilespmem:s2], [sflag:$0x2] =	stream.linear.gather [hbm4b:s4+s2], $0x120, $0x38;
	[tilespmem:$0x4920] =	vst v63  }
0x1f: {  	_ =	swait.ge [sflag:s3], $0x120  }
0x20: {  	[sflag:s3] =	ssyncset.done $0x0  }
0x21: {  	[sflag:s3] =	ssyncadd.s32 $0xFFFFFEE0  }
0x22: {  	[tilespmem:s7], [sflag:$0x1] =	stream.indirect.gather [hbm4b:s5+s6], $0x40, s2, s6, $0xb8;
	[tilespmem:$0x4920] =	vst v63  }
0x23: {  	_ = 	snop  }
0x24: {  	[tilespmem:s8], [sflag:$0x1] =	stream.indirect.gather [hbm4b:s5+s6], $0x40, s6, s6, $0xb8;
	[tilespmem:$0x4920] =	vst v63  }
0x25: {  	_ = 	snop  }
0x26: {  	[tilespmem:s10], [sflag:$0x1] =	stream.indirect.gather [hbm4b:s5+s6], $0x40, s9, s6, $0xb8;
	[tilespmem:$0x4920] =	vst v63  }
0x27: {  	_ =	swait.ge [sflag:s11], $0x1800  }
0x28: {  	[sflag:s11] =	ssyncset.done $0x0  }
0x29: {  	[sflag:s11] =	ssyncadd.s32 $0xFFFFE800  }
0x2a: {  	_ =	swait.ge [sflag:s11], $0x1800  }
0x2b: {  	[sflag:s11] =	ssyncset.done $0x0  }
0x2c: {  	[sflag:s11] =	ssyncadd.s32 $0xFFFFE800  }
0x2d: {  	_ =	swait.ge [sflag:s11], $0x1800  }
.Ltmp1:
0x2e: {  	[sflag:s11] =	ssyncset.done $0x0;
	(pc) =	sbr.rel @p0 .LBB2_1-.Ltmp1, $4  }
0x2f: {  	[sflag:s11] =	ssyncadd.s32 $0xFFFFE800  }
0x30: {  	[hbm4b:s12+s2] =	stream.linear.scatter [tilespmem:s7], [sflag:$0x2], $0x4800, $0x38;
	[tilespmem:$0x4920] =	vst v63  }
0x31: {  	_ =	swait.ge [sflag:s3], $0x4800  }
0x32: {  	[sflag:s3] =	ssyncset.done $0x0  }
.LBB2_2:
0x33: {  	[sflag:s3] =	ssyncadd.s32 $0xFFFFB800  }
0x34: {  	_ =	sfence.sel $0x180000  }
0x35: {  	[bflag:$0x0] =	sbarrier.arrive $0xFFFF  }
0x36: {  	p0 =	sne.s32 s0, $0x0;
	_ =	strace $0x90000047  }
0x37: {  	s0 =	sadd.s32 @!p0 $0x100000, s1;
	[bflag:$0x2] =	sbarrier.arrive $0xFFFF  }
0x38: {  	[sflag:s0] =	ssyncadd.tile.s32 @!p0 $0x1;
	_ =	shalt  }
.Lfunc_end2:
_tile_overlayer_lowered:
.L_overlay_start_2:
0x39: {  	(tag) =	ssettag $0x2  }
0x3a: {  	s0 =	rddreg [dreg:$0x0];
	s2 =	stileid.u32  }
0x3b: {  	s1 =	rddreg [dreg:$0x1];
	p0 =	sne.s32 s2, $0x0  }
0x3c: {  	s3 =	rddreg [dreg:$0x2];
	[bflag:$0x3] =	sbarrier.arrive $0xFFFF;
	s2 =	simm.s32 @!p0 $0x1C02  }
0x3d: {  	[timem:s3], [sflag:s2] =	dma.local @!p0 [hbm:s0], s1  }
0x3e: {  	s0 =	simm.s32 @!p0 $0x2  }
0x3f: {  	_ =	swait.ge @!p0 [sflag:s0], s1  }
0x40: {  	s1 =	ssub.s32 @!p0 $0x0, s1;
	[sflag:s0] =	ssyncset.done @!p0 $0x0  }
0x41: {  	[sflag:s0] =	ssyncadd.s32 @!p0 s1  }
0x42: {  	[bflag:$0x3] =	sbarrier.arrive $0xFFFF  }
0x43: {  	_ =	shalt  }

</sc_bundles>
